<compile_context>
chip_gen: v7x
topology: tpu7x:2x2x1
jax: 0.10.2.dev20260603
libtpu: 0.0.44.dev20260713+nightly
codegen_flags: <defaults>
</compile_context>

<pallas_src>
import functools

import jax
import jax.numpy as jnp
from jax import lax
from jax.experimental import pallas as pl
from jax.experimental.pallas import tpu as pltpu
from jax.experimental.pallas import tpu_sc as plsc

_N = 10000
_E = 320000
_D = 128
_H = 32
_L = 8
_G = 64

_NC = 2
_NS = 16
_CHUNK = 125
_CPW = 80
_N_PAD = 10240
_RPS = _N_PAD // _NS


def _sc_mesh():
    return plsc.VectorSubcoreMesh(core_axis_name="c", subcore_axis_name="s")


def _sc_deg(dst2d, ones_n, zeros_n):

    @functools.partial(
        pl.kernel,
        out_type=jax.ShapeDtypeStruct((_NC, _N_PAD), jnp.float32),
        mesh=_sc_mesh(),
        compiler_params=pltpu.CompilerParams(use_tc_tiling_on_sc=False),
        scratch_types=[
            pltpu.VMEM((_CPW, _CHUNK), jnp.int32),
            pltpu.VMEM((_CHUNK,), jnp.float32),
            pltpu.VMEM_SHARED((_N_PAD,), jnp.float32),
        ],
    )
    def k(dst_hbm, ones_hbm, zeros_hbm, out_hbm, dst_v, ones_v, deg_sh):
        c = lax.axis_index("c")
        s = lax.axis_index("s")
        wid = c * _NS + s
        pltpu.sync_copy(dst_hbm.at[pl.ds(wid * _CPW, _CPW)], dst_v)
        pltpu.sync_copy(ones_hbm, ones_v)
        pltpu.sync_copy(zeros_hbm.at[pl.ds(s * _RPS, _RPS)],
                        deg_sh.at[pl.ds(s * _RPS, _RPS)])
        plsc.subcore_barrier()

        def body(j, carry):
            pltpu.sync_copy(ones_v, deg_sh.at[dst_v.at[j]], add=True)
            return carry

        lax.fori_loop(0, _CPW, body, 0)
        plsc.subcore_barrier()
        pltpu.sync_copy(deg_sh.at[pl.ds(s * _RPS, _RPS)],
                        out_hbm.at[c, pl.ds(s * _RPS, _RPS)])

    return k(dst2d, ones_n, zeros_n)


def _sc_scatter(src2d, dst2d, y, zeros_rows):

    @functools.partial(
        pl.kernel,
        out_type=jax.ShapeDtypeStruct((_NC, _N_PAD, _H), jnp.float32),
        mesh=_sc_mesh(),
        compiler_params=pltpu.CompilerParams(use_tc_tiling_on_sc=False),
        scratch_types=[
            pltpu.VMEM((_CPW, _CHUNK), jnp.int32),
            pltpu.VMEM((_CPW, _CHUNK), jnp.int32),
            [pltpu.VMEM((_CHUNK, _H), jnp.float32)] * 8,
            pltpu.VMEM_SHARED((_N_PAD, _H), jnp.float32),
            pltpu.VMEM_SHARED((_N_PAD, _H), jnp.float32),
            [pltpu.SemaphoreType.DMA] * 8,
            [pltpu.SemaphoreType.DMA] * 8,
        ],
    )
    def k(src_hbm, dst_hbm, y_hbm, zeros_hbm, out_hbm,
          src_v, dst_v, rows, acc_sh, y_sh, gsem, ssem):
        c = lax.axis_index("c")
        s = lax.axis_index("s")
        wid = c * _NS + s
        pltpu.sync_copy(src_hbm.at[pl.ds(wid * _CPW, _CPW)], src_v)
        pltpu.sync_copy(dst_hbm.at[pl.ds(wid * _CPW, _CPW)], dst_v)
        pltpu.sync_copy(zeros_hbm.at[pl.ds(s * _RPS, _RPS)],
                        acc_sh.at[pl.ds(s * _RPS, _RPS)])
        pltpu.sync_copy(y_hbm.at[pl.ds(s * _RPS, _RPS)],
                        y_sh.at[pl.ds(s * _RPS, _RPS)])
        plsc.subcore_barrier()

        def drain(semref):
            pltpu.make_async_copy(y_hbm.at[pl.ds(0, _CHUNK)],
                                  rows[0], semref).wait()

        for b0 in range(4):
            pltpu.async_copy(y_sh.at[src_v.at[b0]], rows[b0], gsem[b0])

        def group(gi, carry):
            for b in range(8):
                j = 8 * gi + b
                bb = (b + 4) % 8
                drain(gsem[b])
                pltpu.async_copy(rows[b], acc_sh.at[dst_v.at[j]],
                                 ssem[b], add=True)

                @pl.when(j >= 4)
                def _():
                    drain(ssem[bb])

                @pl.when(j + 4 < _CPW)
                def _():
                    pltpu.async_copy(y_sh.at[src_v.at[j + 4]],
                                     rows[bb], gsem[bb])
            return carry

        lax.fori_loop(0, _CPW // 8, group, 0)
        for bt in range(4):
            drain(ssem[(_CPW - 4 + bt) % 8])
        plsc.subcore_barrier()
        pltpu.sync_copy(acc_sh.at[pl.ds(s * _RPS, _RPS)],
                        out_hbm.at[c, pl.ds(s * _RPS, _RPS)])

    return k(src2d, dst2d, y, zeros_rows)


def _tc_xw(x_pad, W_gc, deg_parts):
    R = _N_PAD // 4

    def body(x_ref, w_ref, deg_ref, y_ref, dinv_ref):
        xw = jnp.dot(x_ref[...], w_ref[...], preferred_element_type=jnp.float32)
        deg = deg_ref[0, :] + deg_ref[1, :] + 1.0
        dinv = lax.rsqrt(deg)
        y_ref[...] = xw * dinv[:, None]
        dinv_ref[...] = dinv[:, None]

    return pl.pallas_call(
        body,
        grid=(4,),
        in_specs=[
            pl.BlockSpec((R, _D), lambda i: (i, 0)),
            pl.BlockSpec((_D, _H), lambda i: (0, 0)),
            pl.BlockSpec((_NC, R), lambda i: (0, i)),
        ],
        out_specs=[
            pl.BlockSpec((R, _H), lambda i: (i, 0)),
            pl.BlockSpec((R, 1), lambda i: (i, 0)),
        ],
        out_shape=[
            jax.ShapeDtypeStruct((_N_PAD, _H), jnp.float32),
            jax.ShapeDtypeStruct((_N_PAD, 1), jnp.float32),
        ],
    )(x_pad, W_gc, deg_parts)


def _tc_finish(acc_parts, y, dinv, b_gc, batch2d,
               W_mu, b_mu, W_lv, b_lv, W_dec, b_dec, eps):
    R = _N_PAD // 4
    nb = 4

    def body(acc_ref, y_ref, dinv_ref, bgc_ref, batch_ref,
             wmu_ref, bmu_ref, wlv_ref, blv_ref, wdec_ref, bdec_ref, eps_ref,
             adj_ref, mu_ref, lv_ref, seg_ref, cnt_ref):
        i = pl.program_id(0)
        acc = acc_ref[0] + acc_ref[1] + y_ref[...]
        h = jnp.maximum(acc * dinv_ref[...] + bgc_ref[...], 0.0)
        onehot = (batch_ref[...] ==
                  lax.broadcasted_iota(jnp.int32, (_G, R), 0)).astype(jnp.float32)
        sums = lax.dot_general(onehot, h, (((1,), (0,)), ((), ())),
                               preferred_element_type=jnp.float32)
        cnt = jnp.sum(onehot, axis=1, keepdims=True)

        @pl.when(i == 0)
        def _():
            seg_ref[...] = sums
            cnt_ref[...] = cnt

        @pl.when(i > 0)
        def _():
            seg_ref[...] += sums
            cnt_ref[...] += cnt

        @pl.when(i == nb - 1)
        def _():
            hm = seg_ref[...] / jnp.maximum(cnt_ref[...], 1.0)
            mu = jnp.dot(hm, wmu_ref[...],
                         preferred_element_type=jnp.float32) + bmu_ref[...]
            lv = jnp.dot(hm, wlv_ref[...],
                         preferred_element_type=jnp.float32) + blv_ref[...]
            z = mu + eps_ref[...] * jnp.exp(0.5 * lv)
            logits = jnp.dot(z, wdec_ref[...],
                             preferred_element_type=jnp.float32) + bdec_ref[...]
            adj_ref[...] = (logits > 0.0).astype(jnp.float32)
            mu_ref[...] = mu
            lv_ref[...] = lv

    return pl.pallas_call(
        body,
        grid=(nb,),
        in_specs=[
            pl.BlockSpec((_NC, R, _H), lambda i: (0, i, 0)),
            pl.BlockSpec((R, _H), lambda i: (i, 0)),
            pl.BlockSpec((R, 1), lambda i: (i, 0)),
            pl.BlockSpec((1, _H), lambda i: (0, 0)),
            pl.BlockSpec((1, R), lambda i: (0, i)),
            pl.BlockSpec((_H, _L), lambda i: (0, 0)),
            pl.BlockSpec((1, _L), lambda i: (0, 0)),
            pl.BlockSpec((_H, _L), lambda i: (0, 0)),
            pl.BlockSpec((1, _L), lambda i: (0, 0)),
            pl.BlockSpec((_L, 100), lambda i: (0, 0)),
            pl.BlockSpec((1, 100), lambda i: (0, 0)),
            pl.BlockSpec((_G, _L), lambda i: (0, 0)),
        ],
        out_specs=[
            pl.BlockSpec((_G, 100), lambda i: (0, 0)),
            pl.BlockSpec((_G, _L), lambda i: (0, 0)),
            pl.BlockSpec((_G, _L), lambda i: (0, 0)),
        ],
        out_shape=[
            jax.ShapeDtypeStruct((_G, 100), jnp.float32),
            jax.ShapeDtypeStruct((_G, _L), jnp.float32),
            jax.ShapeDtypeStruct((_G, _L), jnp.float32),
        ],
        scratch_shapes=[
            pltpu.VMEM((_G, _H), jnp.float32),
            pltpu.VMEM((_G, 1), jnp.float32),
        ],
    )(acc_parts, y, dinv, b_gc, batch2d,
      W_mu, b_mu, W_lv, b_lv, W_dec, b_dec, eps)


def kernel(x, edge_index, batch, W_gc, b_gc, W_mu, b_mu, W_lv, b_lv,
           W_dec, b_dec, eps):
    src2d = edge_index[0].reshape(_NC * _NS * _CPW, _CHUNK)
    dst2d = edge_index[1].reshape(_NC * _NS * _CPW, _CHUNK)
    x_pad = jnp.pad(x, ((0, _N_PAD - _N), (0, 0)))
    batch2d = jnp.pad(batch, (0, _N_PAD - _N),
                      constant_values=_G).reshape(1, _N_PAD)
    ones_n = jnp.ones((_CHUNK,), jnp.float32)
    zeros_n = jnp.zeros((_N_PAD,), jnp.float32)
    zeros_rows = jnp.zeros((_N_PAD, _H), jnp.float32)

    deg_parts = _sc_deg(dst2d, ones_n, zeros_n)
    y, dinv = _tc_xw(x_pad, W_gc, deg_parts)
    acc_parts = _sc_scatter(src2d, dst2d, y, zeros_rows)
    adj, mu, lv = _tc_finish(
        acc_parts, y, dinv, b_gc.reshape(1, _H), batch2d,
        W_mu, b_mu.reshape(1, _L), W_lv, b_lv.reshape(1, _L),
        W_dec, b_dec.reshape(1, 100), eps)
    return (adj.reshape(_G, 10, 10), mu, lv)

# --- scband reference (transcript-rebuilt; emitter-appended) ---
"""Pipeline reference for scband-gvae-30236569764092 (READ-ONLY COPY).

The authoritative reference and input builder live on the scoring server;
editing this copy changes nothing except your own understanding.
"""

import jax, jax.numpy as jnp
import numpy as np

N = 10000
E = 320000
D = 128
H = 32
L = 8
G = 64


def setup_inputs(seed: int = 0) -> dict:
    key = jax.random.key(seed)
    ks = jax.random.split(key, 12)
    x = jax.random.normal(ks[0], (N, D), dtype=jnp.float32)
    edge_index = jax.random.randint(ks[1], (2, E), 0, N, dtype=jnp.int32)
    batch = jnp.sort(jax.random.randint(ks[2], (N,), 0, G, dtype=jnp.int32))
    W_gc = jax.random.normal(ks[3], (D, H), dtype=jnp.float32) * 0.05
    b_gc = jnp.zeros((H,), dtype=jnp.float32)
    W_mu = jax.random.normal(ks[4], (H, L), dtype=jnp.float32) * 0.1
    b_mu = jnp.zeros((L,), dtype=jnp.float32)
    W_lv = jax.random.normal(ks[5], (H, L), dtype=jnp.float32) * 0.1
    b_lv = jnp.zeros((L,), dtype=jnp.float32)
    W_dec = jax.random.normal(ks[6], (L, 100), dtype=jnp.float32) * 0.1
    b_dec = jnp.zeros((100,), dtype=jnp.float32)
    eps = jax.random.normal(ks[7], (G, L), dtype=jnp.float32)
    return {"x": x, "edge_index": edge_index, "batch": batch,
            "W_gc": W_gc, "b_gc": b_gc, "W_mu": W_mu, "b_mu": b_mu,
            "W_lv": W_lv, "b_lv": b_lv, "W_dec": W_dec, "b_dec": b_dec,
            "eps": eps}


def _gcn_conv(x, edge_index, W, b, num_nodes):
    # PyG GCNConv: add self-loops, symmetric degree normalization, scatter-add
    src = edge_index[0]
    dst = edge_index[1]
    loop = jnp.arange(num_nodes, dtype=src.dtype)
    src = jnp.concatenate([src, loop])
    dst = jnp.concatenate([dst, loop])
    deg = jnp.zeros((num_nodes,), dtype=jnp.float32).at[dst].add(1.0)
    dinv = 1.0 / jnp.sqrt(deg)
    dinv = jnp.where(jnp.isinf(dinv), 0.0, dinv)
    xw = x @ W
    norm = (dinv[src] * dinv[dst])[:, None]
    msg = jnp.take(xw, src, axis=0) * norm
    out = jnp.zeros_like(xw).at[dst].add(msg)
    return out + b


def reference(x, edge_index, batch, W_gc, b_gc, W_mu, b_mu, W_lv, b_lv, W_dec, b_dec, eps):
    h = jax.nn.relu(_gcn_conv(x, edge_index, W_gc, b_gc, N))
    # global_mean_pool
    s = jax.ops.segment_sum(h, batch, num_segments=G)
    cnt = jax.ops.segment_sum(jnp.ones((N, 1), dtype=jnp.float32), batch, num_segments=G)
    hm = s / jnp.maximum(cnt, 1.0)
    mu = hm @ W_mu + b_mu
    logvar = hm @ W_lv + b_lv
    std = jnp.exp(0.5 * logvar)
    z = mu + eps * std
    adj_logits = (z @ W_dec + b_dec).reshape(-1, 10, 10)
    adj = jax.nn.sigmoid(adj_logits)
    adj = (adj > 0.5).astype(jnp.float32)
    return (adj, mu, logvar)

if __name__ == "__main__":
    import jax
    _d = setup_inputs()
    print(jax.jit(kernel)(*tuple(_d.values())))

</pallas_src>

<mosaic_0001>
#map = affine_map<(d0, d1) -> (0, 0)>
#map1 = affine_map<(d0, d1) -> (0)>
module attributes {stable_mosaic.version = 14 : i64} {
  func.func @k(%arg0: i32, %arg1: i32, %arg2: memref<2560x125xi32, #tpu.memory_space<hbm>>, %arg3: memref<125xf32, #tpu.memory_space<hbm>>, %arg4: memref<10240xf32, #tpu.memory_space<hbm>>, %arg5: memref<2x10240xf32, #tpu.memory_space<hbm>>, %arg6: memref<80x125xi32, #tpu.memory_space<vmem>>, %arg7: memref<125xf32, #tpu.memory_space<vmem>>, %arg8: memref<10240xf32, #tpu.memory_space<vmem_shared>>) attributes {dimension_semantics = [#tpu.dimension_semantics<core_parallel>, #tpu.dimension_semantics<subcore_parallel>], iteration_bounds = array<i64: 2, 16>, scalar_prefetch = 0 : i64, scratch_operands = 3 : i64, tpu.core_type = #tpu.core_type<sc_vector_subcore>, window_params = [{transform_indices = #map}, {transform_indices = #map1}, {transform_indices = #map1}, {transform_indices = #map}]} {
    %mul3A = arith.constant 16 : i32
    %mul3A_0 = arith.muli %arg0, %mul3A : i32
    %add3A = arith.addi %mul3A_0, %arg1 : i32
    %mul3A_1 = arith.constant 80 : i32
    %mul3A_2 = arith.muli %add3A, %mul3A_1 : i32
    "tpu.region"() ({
      %run_scoped3A = tpu.sem_alloc : memref<!tpu.dma_semaphore, #tpu.memory_space<semaphore_mem>>
      %dma_start3A = arith.constant 0 : i32
      %dma_start3A_17 = tpu.memref_slice %arg2[%mul3A_2, %dma_start3A] : memref<2560x125xi32, #tpu.memory_space<hbm>> -> memref<80x125xi32, #tpu.memory_space<hbm>>
      %dma_start3A_18 = arith.constant 0 : i32
      %dma_start3A_19 = tpu.memref_slice %arg2[%mul3A_2, %dma_start3A_18] : memref<2560x125xi32, #tpu.memory_space<hbm>> -> memref<80x125xi32, #tpu.memory_space<hbm>>
      tpu.enqueue_dma source(%dma_start3A_19 : memref<80x125xi32, #tpu.memory_space<hbm>>) target(%arg6 : memref<80x125xi32, #tpu.memory_space<vmem>>) target_semaphore(%run_scoped3A : memref<!tpu.dma_semaphore, #tpu.memory_space<semaphore_mem>>)
      %dma_wait3A = arith.constant 0 : i32
      %dma_wait3A_20 = tpu.memref_slice %arg2[%mul3A_2, %dma_wait3A] : memref<2560x125xi32, #tpu.memory_space<hbm>> -> memref<80x125xi32, #tpu.memory_space<hbm>>
      %dma_wait3A_21 = arith.constant 0 : i32
      %dma_wait3A_22 = tpu.memref_slice %arg2[%mul3A_2, %dma_wait3A_21] : memref<2560x125xi32, #tpu.memory_space<hbm>> -> memref<80x125xi32, #tpu.memory_space<hbm>>
      tpu.wait_dma2 semaphore(%run_scoped3A : memref<!tpu.dma_semaphore, #tpu.memory_space<semaphore_mem>>) src(%dma_wait3A_22 : memref<80x125xi32, #tpu.memory_space<hbm>>) dst(%arg6 : memref<80x125xi32, #tpu.memory_space<vmem>>)
      tpu.yield
    }) : () -> ()
    "tpu.region"() ({
      %run_scoped3A = tpu.sem_alloc : memref<!tpu.dma_semaphore, #tpu.memory_space<semaphore_mem>>
      tpu.enqueue_dma source(%arg3 : memref<125xf32, #tpu.memory_space<hbm>>) target(%arg7 : memref<125xf32, #tpu.memory_space<vmem>>) target_semaphore(%run_scoped3A : memref<!tpu.dma_semaphore, #tpu.memory_space<semaphore_mem>>)
      tpu.wait_dma2 semaphore(%run_scoped3A : memref<!tpu.dma_semaphore, #tpu.memory_space<semaphore_mem>>) src(%arg3 : memref<125xf32, #tpu.memory_space<hbm>>) dst(%arg7 : memref<125xf32, #tpu.memory_space<vmem>>)
      tpu.yield
    }) : () -> ()
    %mul3A_3 = arith.constant 640 : i32
    %mul3A_4 = arith.muli %arg1, %mul3A_3 : i32
    %mul3A_5 = arith.constant 640 : i32
    %mul3A_6 = arith.muli %arg1, %mul3A_5 : i32
    "tpu.region"() ({
      %run_scoped3A = tpu.sem_alloc : memref<!tpu.dma_semaphore, #tpu.memory_space<semaphore_mem>>
      %dma_start3A = tpu.memref_slice %arg8[%mul3A_6] : memref<10240xf32, #tpu.memory_space<vmem_shared>> -> memref<640xf32, #tpu.memory_space<vmem_shared>>
      %dma_start3A_17 = tpu.memref_slice %arg4[%mul3A_4] : memref<10240xf32, #tpu.memory_space<hbm>> -> memref<640xf32, #tpu.memory_space<hbm>>
      tpu.enqueue_dma source(%dma_start3A_17 : memref<640xf32, #tpu.memory_space<hbm>>) target(%dma_start3A : memref<640xf32, #tpu.memory_space<vmem_shared>>) target_semaphore(%run_scoped3A : memref<!tpu.dma_semaphore, #tpu.memory_space<semaphore_mem>>)
      %dma_wait3A = tpu.memref_slice %arg8[%mul3A_6] : memref<10240xf32, #tpu.memory_space<vmem_shared>> -> memref<640xf32, #tpu.memory_space<vmem_shared>>
      %dma_wait3A_18 = tpu.memref_slice %arg4[%mul3A_4] : memref<10240xf32, #tpu.memory_space<hbm>> -> memref<640xf32, #tpu.memory_space<hbm>>
      tpu.wait_dma2 semaphore(%run_scoped3A : memref<!tpu.dma_semaphore, #tpu.memory_space<semaphore_mem>>) src(%dma_wait3A_18 : memref<640xf32, #tpu.memory_space<hbm>>) dst(%dma_wait3A : memref<640xf32, #tpu.memory_space<vmem_shared>>)
      tpu.yield
    }) : () -> ()
    %barrier3A = arith.constant 0 : index
    tpu.barrier barrier_id(%barrier3A)
    %scan3A = arith.constant 0 : i32
    %scan3A_7 = arith.constant 0 : i32
    %scan3A_8 = arith.constant 80 : i32
    %scan3A_9 = arith.addi %scan3A_7, %scan3A_8 : i32
    %scan3A_10 = arith.constant 1 : i32
    scf.for %scan3A_17 = %scan3A_7 to %scan3A_9 step %scan3A_10  : i32 {
      "tpu.region"() ({
        %run_scoped3A = tpu.sem_alloc : memref<!tpu.dma_semaphore, #tpu.memory_space<semaphore_mem>>
        %dma_start3A = arith.constant 0 : i32
        %dma_start3A_18 = tpu.memref_slice %arg6[%scan3A_17, %dma_start3A] : memref<80x125xi32, #tpu.memory_space<vmem>> -> memref<1x125xi32, #tpu.memory_space<vmem>>
        %dma_start3A_19 = tpu.memref_squeeze %dma_start3A_18 : memref<1x125xi32, #tpu.memory_space<vmem>> -> memref<125xi32, #tpu.memory_space<vmem>>
        %dma_start3A_20 = arith.constant 0 : i32
        %dma_start3A_21 = tpu.memref_slice %arg8[%dma_start3A_20] : memref<10240xf32, #tpu.memory_space<vmem_shared>> -> memref<10240xf32, #tpu.memory_space<vmem_shared>>
        tpu.enqueue_indirect_dma source(%arg7 : memref<125xf32, #tpu.memory_space<vmem>>) target(%dma_start3A_21 : memref<10240xf32, #tpu.memory_space<vmem_shared>>) offsets(%dma_start3A_19 : memref<125xi32, #tpu.memory_space<vmem>>) semaphore(%run_scoped3A : memref<!tpu.dma_semaphore, #tpu.memory_space<semaphore_mem>>) {add = true}
        %dma_wait3A = arith.constant 0 : i32
        %dma_wait3A_22 = tpu.memref_slice %arg6[%scan3A_17, %dma_wait3A] : memref<80x125xi32, #tpu.memory_space<vmem>> -> memref<1x125xi32, #tpu.memory_space<vmem>>
        %dma_wait3A_23 = tpu.memref_squeeze %dma_wait3A_22 : memref<1x125xi32, #tpu.memory_space<vmem>> -> memref<125xi32, #tpu.memory_space<vmem>>
        %dma_wait3A_24 = arith.constant 0 : i32
        %dma_wait3A_25 = tpu.memref_slice %arg8[%dma_wait3A_24] : memref<10240xf32, #tpu.memory_space<vmem_shared>> -> memref<10240xf32, #tpu.memory_space<vmem_shared>>
        tpu.wait_indirect_dma semaphore(%run_scoped3A : memref<!tpu.dma_semaphore, #tpu.memory_space<semaphore_mem>>) src(%arg7 : memref<125xf32, #tpu.memory_space<vmem>>) dst(%dma_wait3A_25 : memref<10240xf32, #tpu.memory_space<vmem_shared>>)
        tpu.yield
      }) : () -> ()
    }
    %scan3A_11 = arith.constant 80 : i32
    %barrier3A_12 = arith.constant 0 : index
    tpu.barrier barrier_id(%barrier3A_12)
    %mul3A_13 = arith.constant 640 : i32
    %mul3A_14 = arith.muli %arg1, %mul3A_13 : i32
    %mul3A_15 = arith.constant 640 : i32
    %mul3A_16 = arith.muli %arg1, %mul3A_15 : i32
    "tpu.region"() ({
      %run_scoped3A = tpu.sem_alloc : memref<!tpu.dma_semaphore, #tpu.memory_space<semaphore_mem>>
      %dma_start3A = tpu.memref_slice %arg5[%arg0, %mul3A_16] : memref<2x10240xf32, #tpu.memory_space<hbm>> -> memref<1x640xf32, #tpu.memory_space<hbm>>
      %dma_start3A_17 = tpu.memref_squeeze %dma_start3A : memref<1x640xf32, #tpu.memory_space<hbm>> -> memref<640xf32, #tpu.memory_space<hbm>>
      %dma_start3A_18 = tpu.memref_slice %arg8[%mul3A_14] : memref<10240xf32, #tpu.memory_space<vmem_shared>> -> memref<640xf32, #tpu.memory_space<vmem_shared>>
      tpu.enqueue_dma source(%dma_start3A_18 : memref<640xf32, #tpu.memory_space<vmem_shared>>) target(%dma_start3A_17 : memref<640xf32, #tpu.memory_space<hbm>>) target_semaphore(%run_scoped3A : memref<!tpu.dma_semaphore, #tpu.memory_space<semaphore_mem>>)
      %dma_wait3A = tpu.memref_slice %arg5[%arg0, %mul3A_16] : memref<2x10240xf32, #tpu.memory_space<hbm>> -> memref<1x640xf32, #tpu.memory_space<hbm>>
      %dma_wait3A_19 = tpu.memref_squeeze %dma_wait3A : memref<1x640xf32, #tpu.memory_space<hbm>> -> memref<640xf32, #tpu.memory_space<hbm>>
      %dma_wait3A_20 = tpu.memref_slice %arg8[%mul3A_14] : memref<10240xf32, #tpu.memory_space<vmem_shared>> -> memref<640xf32, #tpu.memory_space<vmem_shared>>
      tpu.wait_dma2 semaphore(%run_scoped3A : memref<!tpu.dma_semaphore, #tpu.memory_space<semaphore_mem>>) src(%dma_wait3A_20 : memref<640xf32, #tpu.memory_space<vmem_shared>>) dst(%dma_wait3A_19 : memref<640xf32, #tpu.memory_space<hbm>>)
      tpu.yield
    }) : () -> ()
    return
  }
}

#map = affine_map<(d0, d1) -> (0, 0)>
#map1 = affine_map<(d0, d1) -> (0, 0, 0)>
module attributes {stable_mosaic.version = 14 : i64} {
  func.func @k(%arg0: i32, %arg1: i32, %arg2: memref<2560x125xi32, #tpu.memory_space<hbm>>, %arg3: memref<2560x125xi32, #tpu.memory_space<hbm>>, %arg4: memref<10240x32xf32, #tpu.memory_space<hbm>>, %arg5: memref<10240x32xf32, #tpu.memory_space<hbm>>, %arg6: memref<2x10240x32xf32, #tpu.memory_space<hbm>>, %arg7: memref<80x125xi32, #tpu.memory_space<vmem>>, %arg8: memref<80x125xi32, #tpu.memory_space<vmem>>, %arg9: memref<125x32xf32, #tpu.memory_space<vmem>>, %arg10: memref<125x32xf32, #tpu.memory_space<vmem>>, %arg11: memref<125x32xf32, #tpu.memory_space<vmem>>, %arg12: memref<125x32xf32, #tpu.memory_space<vmem>>, %arg13: memref<125x32xf32, #tpu.memory_space<vmem>>, %arg14: memref<125x32xf32, #tpu.memory_space<vmem>>, %arg15: memref<125x32xf32, #tpu.memory_space<vmem>>, %arg16: memref<125x32xf32, #tpu.memory_space<vmem>>, %arg17: memref<10240x32xf32, #tpu.memory_space<vmem_shared>>, %arg18: memref<10240x32xf32, #tpu.memory_space<vmem_shared>>, %arg19: memref<!tpu.dma_semaphore, #tpu.memory_space<semaphore_mem>>, %arg20: memref<!tpu.dma_semaphore, #tpu.memory_space<semaphore_mem>>, %arg21: memref<!tpu.dma_semaphore, #tpu.memory_space<semaphore_mem>>, %arg22: memref<!tpu.dma_semaphore, #tpu.memory_space<semaphore_mem>>, %arg23: memref<!tpu.dma_semaphore, #tpu.memory_space<semaphore_mem>>, %arg24: memref<!tpu.dma_semaphore, #tpu.memory_space<semaphore_mem>>, %arg25: memref<!tpu.dma_semaphore, #tpu.memory_space<semaphore_mem>>, %arg26: memref<!tpu.dma_semaphore, #tpu.memory_space<semaphore_mem>>, %arg27: memref<!tpu.dma_semaphore, #tpu.memory_space<semaphore_mem>>, %arg28: memref<!tpu.dma_semaphore, #tpu.memory_space<semaphore_mem>>, %arg29: memref<!tpu.dma_semaphore, #tpu.memory_space<semaphore_mem>>, %arg30: memref<!tpu.dma_semaphore, #tpu.memory_space<semaphore_mem>>, %arg31: memref<!tpu.dma_semaphore, #tpu.memory_space<semaphore_mem>>, %arg32: memref<!tpu.dma_semaphore, #tpu.memory_space<semaphore_mem>>, %arg33: memref<!tpu.dma_semaphore, #tpu.memory_space<semaphore_mem>>, %arg34: memref<!tpu.dma_semaphore, #tpu.memory_space<semaphore_mem>>) attributes {dimension_semantics = [#tpu.dimension_semantics<core_parallel>, #tpu.dimension_semantics<subcore_parallel>], iteration_bounds = array<i64: 2, 16>, scalar_prefetch = 0 : i64, scratch_operands = 28 : i64, tpu.core_type = #tpu.core_type<sc_vector_subcore>, window_params = [{transform_indices = #map}, {transform_indices = #map}, {transform_indices = #map}, {transform_indices = #map}, {transform_indices = #map1}]} {
    %mul3A = arith.constant 16 : i32
    %mul3A_0 = arith.muli %arg0, %mul3A : i32
    %add3A = arith.addi %mul3A_0, %arg1 : i32
    %mul3A_1 = arith.constant 80 : i32
    %mul3A_2 = arith.muli %add3A, %mul3A_1 : i32
    "tpu.region"() ({
      %run_scoped3A = tpu.sem_alloc : memref<!tpu.dma_semaphore, #tpu.memory_space<semaphore_mem>>
      %dma_start3A_73 = arith.constant 0 : i32
      %dma_start3A_74 = tpu.memref_slice %arg2[%mul3A_2, %dma_start3A_73] : memref<2560x125xi32, #tpu.memory_space<hbm>> -> memref<80x125xi32, #tpu.memory_space<hbm>>
      %dma_start3A_75 = arith.constant 0 : i32
      %dma_start3A_76 = tpu.memref_slice %arg2[%mul3A_2, %dma_start3A_75] : memref<2560x125xi32, #tpu.memory_space<hbm>> -> memref<80x125xi32, #tpu.memory_space<hbm>>
      tpu.enqueue_dma source(%dma_start3A_76 : memref<80x125xi32, #tpu.memory_space<hbm>>) target(%arg7 : memref<80x125xi32, #tpu.memory_space<vmem>>) target_semaphore(%run_scoped3A : memref<!tpu.dma_semaphore, #tpu.memory_space<semaphore_mem>>)
      %dma_wait3A_77 = arith.constant 0 : i32
      %dma_wait3A_78 = tpu.memref_slice %arg2[%mul3A_2, %dma_wait3A_77] : memref<2560x125xi32, #tpu.memory_space<hbm>> -> memref<80x125xi32, #tpu.memory_space<hbm>>
      %dma_wait3A_79 = arith.constant 0 : i32
      %dma_wait3A_80 = tpu.memref_slice %arg2[%mul3A_2, %dma_wait3A_79] : memref<2560x125xi32, #tpu.memory_space<hbm>> -> memref<80x125xi32, #tpu.memory_space<hbm>>
      tpu.wait_dma2 semaphore(%run_scoped3A : memref<!tpu.dma_semaphore, #tpu.memory_space<semaphore_mem>>) src(%dma_wait3A_80 : memref<80x125xi32, #tpu.memory_space<hbm>>) dst(%arg7 : memref<80x125xi32, #tpu.memory_space<vmem>>)
      tpu.yield
    }) : () -> ()
    %mul3A_3 = arith.constant 80 : i32
    %mul3A_4 = arith.muli %add3A, %mul3A_3 : i32
    "tpu.region"() ({
      %run_scoped3A = tpu.sem_alloc : memref<!tpu.dma_semaphore, #tpu.memory_space<semaphore_mem>>
      %dma_start3A_73 = arith.constant 0 : i32
      %dma_start3A_74 = tpu.memref_slice %arg3[%mul3A_4, %dma_start3A_73] : memref<2560x125xi32, #tpu.memory_space<hbm>> -> memref<80x125xi32, #tpu.memory_space<hbm>>
      %dma_start3A_75 = arith.constant 0 : i32
      %dma_start3A_76 = tpu.memref_slice %arg3[%mul3A_4, %dma_start3A_75] : memref<2560x125xi32, #tpu.memory_space<hbm>> -> memref<80x125xi32, #tpu.memory_space<hbm>>
      tpu.enqueue_dma source(%dma_start3A_76 : memref<80x125xi32, #tpu.memory_space<hbm>>) target(%arg8 : memref<80x125xi32, #tpu.memory_space<vmem>>) target_semaphore(%run_scoped3A : memref<!tpu.dma_semaphore, #tpu.memory_space<semaphore_mem>>)
      %dma_wait3A_77 = arith.constant 0 : i32
      %dma_wait3A_78 = tpu.memref_slice %arg3[%mul3A_4, %dma_wait3A_77] : memref<2560x125xi32, #tpu.memory_space<hbm>> -> memref<80x125xi32, #tpu.memory_space<hbm>>
      %dma_wait3A_79 = arith.constant 0 : i32
      %dma_wait3A_80 = tpu.memref_slice %arg3[%mul3A_4, %dma_wait3A_79] : memref<2560x125xi32, #tpu.memory_space<hbm>> -> memref<80x125xi32, #tpu.memory_space<hbm>>
      tpu.wait_dma2 semaphore(%run_scoped3A : memref<!tpu.dma_semaphore, #tpu.memory_space<semaphore_mem>>) src(%dma_wait3A_80 : memref<80x125xi32, #tpu.memory_space<hbm>>) dst(%arg8 : memref<80x125xi32, #tpu.memory_space<vmem>>)
      tpu.yield
    }) : () -> ()
    %mul3A_5 = arith.constant 640 : i32
    %mul3A_6 = arith.muli %arg1, %mul3A_5 : i32
    %mul3A_7 = arith.constant 640 : i32
    %mul3A_8 = arith.muli %arg1, %mul3A_7 : i32
    "tpu.region"() ({
      %run_scoped3A = tpu.sem_alloc : memref<!tpu.dma_semaphore, #tpu.memory_space<semaphore_mem>>
      %dma_start3A_73 = arith.constant 0 : i32
      %dma_start3A_74 = tpu.memref_slice %arg17[%mul3A_8, %dma_start3A_73] : memref<10240x32xf32, #tpu.memory_space<vmem_shared>> -> memref<640x32xf32, #tpu.memory_space<vmem_shared>>
      %dma_start3A_75 = arith.constant 0 : i32
      %dma_start3A_76 = tpu.memref_slice %arg5[%mul3A_6, %dma_start3A_75] : memref<10240x32xf32, #tpu.memory_space<hbm>> -> memref<640x32xf32, #tpu.memory_space<hbm>>
      tpu.enqueue_dma source(%dma_start3A_76 : memref<640x32xf32, #tpu.memory_space<hbm>>) target(%dma_start3A_74 : memref<640x32xf32, #tpu.memory_space<vmem_shared>>) target_semaphore(%run_scoped3A : memref<!tpu.dma_semaphore, #tpu.memory_space<semaphore_mem>>)
      %dma_wait3A_77 = arith.constant 0 : i32
      %dma_wait3A_78 = tpu.memref_slice %arg17[%mul3A_8, %dma_wait3A_77] : memref<10240x32xf32, #tpu.memory_space<vmem_shared>> -> memref<640x32xf32, #tpu.memory_space<vmem_shared>>
      %dma_wait3A_79 = arith.constant 0 : i32
      %dma_wait3A_80 = tpu.memref_slice %arg5[%mul3A_6, %dma_wait3A_79] : memref<10240x32xf32, #tpu.memory_space<hbm>> -> memref<640x32xf32, #tpu.memory_space<hbm>>
      tpu.wait_dma2 semaphore(%run_scoped3A : memref<!tpu.dma_semaphore, #tpu.memory_space<semaphore_mem>>) src(%dma_wait3A_80 : memref<640x32xf32, #tpu.memory_space<hbm>>) dst(%dma_wait3A_78 : memref<640x32xf32, #tpu.memory_space<vmem_shared>>)
      tpu.yield
    }) : () -> ()
    %mul3A_9 = arith.constant 640 : i32
    %mul3A_10 = arith.muli %arg1, %mul3A_9 : i32
    %mul3A_11 = arith.constant 640 : i32
    %mul3A_12 = arith.muli %arg1, %mul3A_11 : i32
    "tpu.region"() ({
      %run_scoped3A = tpu.sem_alloc : memref<!tpu.dma_semaphore, #tpu.memory_space<semaphore_mem>>
      %dma_start3A_73 = arith.constant 0 : i32
      %dma_start3A_74 = tpu.memref_slice %arg18[%mul3A_12, %dma_start3A_73] : memref<10240x32xf32, #tpu.memory_space<vmem_shared>> -> memref<640x32xf32, #tpu.memory_space<vmem_shared>>
      %dma_start3A_75 = arith.constant 0 : i32
      %dma_start3A_76 = tpu.memref_slice %arg4[%mul3A_10, %dma_start3A_75] : memref<10240x32xf32, #tpu.memory_space<hbm>> -> memref<640x32xf32, #tpu.memory_space<hbm>>
      tpu.enqueue_dma source(%dma_start3A_76 : memref<640x32xf32, #tpu.memory_space<hbm>>) target(%dma_start3A_74 : memref<640x32xf32, #tpu.memory_space<vmem_shared>>) target_semaphore(%run_scoped3A : memref<!tpu.dma_semaphore, #tpu.memory_space<semaphore_mem>>)
      %dma_wait3A_77 = arith.constant 0 : i32
      %dma_wait3A_78 = tpu.memref_slice %arg18[%mul3A_12, %dma_wait3A_77] : memref<10240x32xf32, #tpu.memory_space<vmem_shared>> -> memref<640x32xf32, #tpu.memory_space<vmem_shared>>
      %dma_wait3A_79 = arith.constant 0 : i32
      %dma_wait3A_80 = tpu.memref_slice %arg4[%mul3A_10, %dma_wait3A_79] : memref<10240x32xf32, #tpu.memory_space<hbm>> -> memref<640x32xf32, #tpu.memory_space<hbm>>
      tpu.wait_dma2 semaphore(%run_scoped3A : memref<!tpu.dma_semaphore, #tpu.memory_space<semaphore_mem>>) src(%dma_wait3A_80 : memref<640x32xf32, #tpu.memory_space<hbm>>) dst(%dma_wait3A_78 : memref<640x32xf32, #tpu.memory_space<vmem_shared>>)
      tpu.yield
    }) : () -> ()
    %barrier3A = arith.constant 0 : index
    tpu.barrier barrier_id(%barrier3A)
    %dma_start3A = arith.constant 0 : i32
    %dma_start3A_13 = arith.constant 0 : i32
    %dma_start3A_14 = tpu.memref_slice %arg7[%dma_start3A, %dma_start3A_13] : memref<80x125xi32, #tpu.memory_space<vmem>> -> memref<1x125xi32, #tpu.memory_space<vmem>>
    %dma_start3A_15 = tpu.memref_squeeze %dma_start3A_14 : memref<1x125xi32, #tpu.memory_space<vmem>> -> memref<125xi32, #tpu.memory_space<vmem>>
    %dma_start3A_16 = arith.constant 0 : i32
    %dma_start3A_17 = arith.constant 0 : i32
    %dma_start3A_18 = tpu.memref_slice %arg18[%dma_start3A_16, %dma_start3A_17] : memref<10240x32xf32, #tpu.memory_space<vmem_shared>> -> memref<10240x32xf32, #tpu.memory_space<vmem_shared>>
    tpu.enqueue_indirect_dma source(%dma_start3A_18 : memref<10240x32xf32, #tpu.memory_space<vmem_shared>>) target(%arg9 : memref<125x32xf32, #tpu.memory_space<vmem>>) offsets(%dma_start3A_15 : memref<125xi32, #tpu.memory_space<vmem>>) semaphore(%arg19 : memref<!tpu.dma_semaphore, #tpu.memory_space<semaphore_mem>>)
    %dma_start3A_19 = arith.constant 1 : i32
    %dma_start3A_20 = arith.constant 0 : i32
    %dma_start3A_21 = tpu.memref_slice %arg7[%dma_start3A_19, %dma_start3A_20] : memref<80x125xi32, #tpu.memory_space<vmem>> -> memref<1x125xi32, #tpu.memory_space<vmem>>
    %dma_start3A_22 = tpu.memref_squeeze %dma_start3A_21 : memref<1x125xi32, #tpu.memory_space<vmem>> -> memref<125xi32, #tpu.memory_space<vmem>>
    %dma_start3A_23 = arith.constant 0 : i32
    %dma_start3A_24 = arith.constant 0 : i32
    %dma_start3A_25 = tpu.memref_slice %arg18[%dma_start3A_23, %dma_start3A_24] : memref<10240x32xf32, #tpu.memory_space<vmem_shared>> -> memref<10240x32xf32, #tpu.memory_space<vmem_shared>>
    tpu.enqueue_indirect_dma source(%dma_start3A_25 : memref<10240x32xf32, #tpu.memory_space<vmem_shared>>) target(%arg10 : memref<125x32xf32, #tpu.memory_space<vmem>>) offsets(%dma_start3A_22 : memref<125xi32, #tpu.memory_space<vmem>>) semaphore(%arg20 : memref<!tpu.dma_semaphore, #tpu.memory_space<semaphore_mem>>)
    %dma_start3A_26 = arith.constant 2 : i32
    %dma_start3A_27 = arith.constant 0 : i32
    %dma_start3A_28 = tpu.memref_slice %arg7[%dma_start3A_26, %dma_start3A_27] : memref<80x125xi32, #tpu.memory_space<vmem>> -> memref<1x125xi32, #tpu.memory_space<vmem>>
    %dma_start3A_29 = tpu.memref_squeeze %dma_start3A_28 : memref<1x125xi32, #tpu.memory_space<vmem>> -> memref<125xi32, #tpu.memory_space<vmem>>
    %dma_start3A_30 = arith.constant 0 : i32
    %dma_start3A_31 = arith.constant 0 : i32
    %dma_start3A_32 = tpu.memref_slice %arg18[%dma_start3A_30, %dma_start3A_31] : memref<10240x32xf32, #tpu.memory_space<vmem_shared>> -> memref<10240x32xf32, #tpu.memory_space<vmem_shared>>
    tpu.enqueue_indirect_dma source(%dma_start3A_32 : memref<10240x32xf32, #tpu.memory_space<vmem_shared>>) target(%arg11 : memref<125x32xf32, #tpu.memory_space<vmem>>) offsets(%dma_start3A_29 : memref<125xi32, #tpu.memory_space<vmem>>) semaphore(%arg21 : memref<!tpu.dma_semaphore, #tpu.memory_space<semaphore_mem>>)
    %dma_start3A_33 = arith.constant 3 : i32
    %dma_start3A_34 = arith.constant 0 : i32
    %dma_start3A_35 = tpu.memref_slice %arg7[%dma_start3A_33, %dma_start3A_34] : memref<80x125xi32, #tpu.memory_space<vmem>> -> memref<1x125xi32, #tpu.memory_space<vmem>>
    %dma_start3A_36 = tpu.memref_squeeze %dma_start3A_35 : memref<1x125xi32, #tpu.memory_space<vmem>> -> memref<125xi32, #tpu.memory_space<vmem>>
    %dma_start3A_37 = arith.constant 0 : i32
    %dma_start3A_38 = arith.constant 0 : i32
    %dma_start3A_39 = tpu.memref_slice %arg18[%dma_start3A_37, %dma_start3A_38] : memref<10240x32xf32, #tpu.memory_space<vmem_shared>> -> memref<10240x32xf32, #tpu.memory_space<vmem_shared>>
    tpu.enqueue_indirect_dma source(%dma_start3A_39 : memref<10240x32xf32, #tpu.memory_space<vmem_shared>>) target(%arg12 : memref<125x32xf32, #tpu.memory_space<vmem>>) offsets(%dma_start3A_36 : memref<125xi32, #tpu.memory_space<vmem>>) semaphore(%arg22 : memref<!tpu.dma_semaphore, #tpu.memory_space<semaphore_mem>>)
    %scan3A = arith.constant 0 : i32
    %scan3A_40 = arith.constant 0 : i32
    %scan3A_41 = arith.constant 10 : i32
    %scan3A_42 = arith.addi %scan3A_40, %scan3A_41 : i32
    %scan3A_43 = arith.constant 1 : i32
    scf.for %scan3A_73 = %scan3A_40 to %scan3A_42 step %scan3A_43  : i32 {
      %mul3A_74 = arith.constant 8 : i32
      %mul3A_75 = arith.muli %mul3A_74, %scan3A_73 : i32
      %add3A_76 = arith.constant 0 : i32
      %add3A_77 = arith.addi %mul3A_75, %add3A_76 : i32
      %dma_wait3A_78 = arith.constant 0 : i32
      %dma_wait3A_79 = arith.constant 0 : i32
      %dma_wait3A_80 = tpu.memref_slice %arg4[%dma_wait3A_78, %dma_wait3A_79] : memref<10240x32xf32, #tpu.memory_space<hbm>> -> memref<125x32xf32, #tpu.memory_space<hbm>>
      %dma_wait3A_81 = arith.constant 0 : i32
      %dma_wait3A_82 = arith.constant 0 : i32
      %dma_wait3A_83 = tpu.memref_slice %arg4[%dma_wait3A_81, %dma_wait3A_82] : memref<10240x32xf32, #tpu.memory_space<hbm>> -> memref<125x32xf32, #tpu.memory_space<hbm>>
      tpu.wait_dma2 semaphore(%arg19 : memref<!tpu.dma_semaphore, #tpu.memory_space<semaphore_mem>>) src(%dma_wait3A_83 : memref<125x32xf32, #tpu.memory_space<hbm>>) dst(%arg9 : memref<125x32xf32, #tpu.memory_space<vmem>>)
      %dma_start3A_84 = arith.constant 0 : i32
      %dma_start3A_85 = tpu.memref_slice %arg8[%add3A_77, %dma_start3A_84] : memref<80x125xi32, #tpu.memory_space<vmem>> -> memref<1x125xi32, #tpu.memory_space<vmem>>
      %dma_start3A_86 = tpu.memref_squeeze %dma_start3A_85 : memref<1x125xi32, #tpu.memory_space<vmem>> -> memref<125xi32, #tpu.memory_space<vmem>>
      %dma_start3A_87 = arith.constant 0 : i32
      %dma_start3A_88 = arith.constant 0 : i32
      %dma_start3A_89 = tpu.memref_slice %arg17[%dma_start3A_87, %dma_start3A_88] : memref<10240x32xf32, #tpu.memory_space<vmem_shared>> -> memref<10240x32xf32, #tpu.memory_space<vmem_shared>>
      tpu.enqueue_indirect_dma source(%arg9 : memref<125x32xf32, #tpu.memory_space<vmem>>) target(%dma_start3A_89 : memref<10240x32xf32, #tpu.memory_space<vmem_shared>>) offsets(%dma_start3A_86 : memref<125xi32, #tpu.memory_space<vmem>>) semaphore(%arg27 : memref<!tpu.dma_semaphore, #tpu.memory_space<semaphore_mem>>) {add = true}
      %ge3A = arith.constant 4 : i32
      %ge3A_90 = arith.cmpi sge, %add3A_77, %ge3A : i32
      %convert_element_type3A = arith.extui %ge3A_90 : i1 to i32
      %cond3A = arith.constant 0 : i32
      %cond3A_91 = arith.cmpi ne, %convert_element_type3A, %cond3A : i32
      scf.if %cond3A_91 {
        %dma_wait3A_294 = arith.constant 0 : i32
        %dma_wait3A_295 = arith.constant 0 : i32
        %dma_wait3A_296 = tpu.memref_slice %arg4[%dma_wait3A_294, %dma_wait3A_295] : memref<10240x32xf32, #tpu.memory_space<hbm>> -> memref<125x32xf32, #tpu.memory_space<hbm>>
        %dma_wait3A_297 = arith.constant 0 : i32
        %dma_wait3A_298 = arith.constant 0 : i32
        %dma_wait3A_299 = tpu.memref_slice %arg4[%dma_wait3A_297, %dma_wait3A_298] : memref<10240x32xf32, #tpu.memory_space<hbm>> -> memref<125x32xf32, #tpu.memory_space<hbm>>
        tpu.wait_dma2 semaphore(%arg31 : memref<!tpu.dma_semaphore, #tpu.memory_space<semaphore_mem>>) src(%dma_wait3A_299 : memref<125x32xf32, #tpu.memory_space<hbm>>) dst(%arg9 : memref<125x32xf32, #tpu.memory_space<vmem>>)
      } else {
      }
      %add3A_92 = arith.constant 4 : i32
      %add3A_93 = arith.addi %add3A_77, %add3A_92 : i32
      %lt3A = arith.constant 80 : i32
      %lt3A_94 = arith.cmpi slt, %add3A_93, %lt3A : i32
      %convert_element_type3A_95 = arith.extui %lt3A_94 : i1 to i32
      %cond3A_96 = arith.constant 0 : i32
      %cond3A_97 = arith.cmpi ne, %convert_element_type3A_95, %cond3A_96 : i32
      scf.if %cond3A_97 {
        %add3A_294 = arith.constant 4 : i32
        %add3A_295 = arith.addi %add3A_77, %add3A_294 : i32
        %dma_start3A_296 = arith.constant 0 : i32
        %dma_start3A_297 = tpu.memref_slice %arg7[%add3A_295, %dma_start3A_296] : memref<80x125xi32, #tpu.memory_space<vmem>> -> memref<1x125xi32, #tpu.memory_space<vmem>>
        %dma_start3A_298 = tpu.memref_squeeze %dma_start3A_297 : memref<1x125xi32, #tpu.memory_space<vmem>> -> memref<125xi32, #tpu.memory_space<vmem>>
        %dma_start3A_299 = arith.constant 0 : i32
        %dma_start3A_300 = arith.constant 0 : i32
        %dma_start3A_301 = tpu.memref_slice %arg18[%dma_start3A_299, %dma_start3A_300] : memref<10240x32xf32, #tpu.memory_space<vmem_shared>> -> memref<10240x32xf32, #tpu.memory_space<vmem_shared>>
        tpu.enqueue_indirect_dma source(%dma_start3A_301 : memref<10240x32xf32, #tpu.memory_space<vmem_shared>>) target(%arg13 : memref<125x32xf32, #tpu.memory_space<vmem>>) offsets(%dma_start3A_298 : memref<125xi32, #tpu.memory_space<vmem>>) semaphore(%arg23 : memref<!tpu.dma_semaphore, #tpu.memory_space<semaphore_mem>>)
      } else {
      }
      %mul3A_98 = arith.constant 8 : i32
      %mul3A_99 = arith.muli %mul3A_98, %scan3A_73 : i32
      %add3A_100 = arith.constant 1 : i32
      %add3A_101 = arith.addi %mul3A_99, %add3A_100 : i32
      %dma_wait3A_102 = arith.constant 0 : i32
      %dma_wait3A_103 = arith.constant 0 : i32
      %dma_wait3A_104 = tpu.memref_slice %arg4[%dma_wait3A_102, %dma_wait3A_103] : memref<10240x32xf32, #tpu.memory_space<hbm>> -> memref<125x32xf32, #tpu.memory_space<hbm>>
      %dma_wait3A_105 = arith.constant 0 : i32
      %dma_wait3A_106 = arith.constant 0 : i32
      %dma_wait3A_107 = tpu.memref_slice %arg4[%dma_wait3A_105, %dma_wait3A_106] : memref<10240x32xf32, #tpu.memory_space<hbm>> -> memref<125x32xf32, #tpu.memory_space<hbm>>
      tpu.wait_dma2 semaphore(%arg20 : memref<!tpu.dma_semaphore, #tpu.memory_space<semaphore_mem>>) src(%dma_wait3A_107 : memref<125x32xf32, #tpu.memory_space<hbm>>) dst(%arg9 : memref<125x32xf32, #tpu.memory_space<vmem>>)
      %dma_start3A_108 = arith.constant 0 : i32
      %dma_start3A_109 = tpu.memref_slice %arg8[%add3A_101, %dma_start3A_108] : memref<80x125xi32, #tpu.memory_space<vmem>> -> memref<1x125xi32, #tpu.memory_space<vmem>>
      %dma_start3A_110 = tpu.memref_squeeze %dma_start3A_109 : memref<1x125xi32, #tpu.memory_space<vmem>> -> memref<125xi32, #tpu.memory_space<vmem>>
      %dma_start3A_111 = arith.constant 0 : i32
      %dma_start3A_112 = arith.constant 0 : i32
      %dma_start3A_113 = tpu.memref_slice %arg17[%dma_start3A_111, %dma_start3A_112] : memref<10240x32xf32, #tpu.memory_space<vmem_shared>> -> memref<10240x32xf32, #tpu.memory_space<vmem_shared>>
      tpu.enqueue_indirect_dma source(%arg10 : memref<125x32xf32, #tpu.memory_space<vmem>>) target(%dma_start3A_113 : memref<10240x32xf32, #tpu.memory_space<vmem_shared>>) offsets(%dma_start3A_110 : memref<125xi32, #tpu.memory_space<vmem>>) semaphore(%arg28 : memref<!tpu.dma_semaphore, #tpu.memory_space<semaphore_mem>>) {add = true}
      %ge3A_114 = arith.constant 4 : i32
      %ge3A_115 = arith.cmpi sge, %add3A_101, %ge3A_114 : i32
      %convert_element_type3A_116 = arith.extui %ge3A_115 : i1 to i32
      %cond3A_117 = arith.constant 0 : i32
      %cond3A_118 = arith.cmpi ne, %convert_element_type3A_116, %cond3A_117 : i32
      scf.if %cond3A_118 {
        %dma_wait3A_294 = arith.constant 0 : i32
        %dma_wait3A_295 = arith.constant 0 : i32
        %dma_wait3A_296 = tpu.memref_slice %arg4[%dma_wait3A_294, %dma_wait3A_295] : memref<10240x32xf32, #tpu.memory_space<hbm>> -> memref<125x32xf32, #tpu.memory_space<hbm>>
        %dma_wait3A_297 = arith.constant 0 : i32
        %dma_wait3A_298 = arith.constant 0 : i32
        %dma_wait3A_299 = tpu.memref_slice %arg4[%dma_wait3A_297, %dma_wait3A_298] : memref<10240x32xf32, #tpu.memory_space<hbm>> -> memref<125x32xf32, #tpu.memory_space<hbm>>
        tpu.wait_dma2 semaphore(%arg32 : memref<!tpu.dma_semaphore, #tpu.memory_space<semaphore_mem>>) src(%dma_wait3A_299 : memref<125x32xf32, #tpu.memory_space<hbm>>) dst(%arg9 : memref<125x32xf32, #tpu.memory_space<vmem>>)
      } else {
      }
      %add3A_119 = arith.constant 4 : i32
      %add3A_120 = arith.addi %add3A_101, %add3A_119 : i32
      %lt3A_121 = arith.constant 80 : i32
      %lt3A_122 = arith.cmpi slt, %add3A_120, %lt3A_121 : i32
      %convert_element_type3A_123 = arith.extui %lt3A_122 : i1 to i32
      %cond3A_124 = arith.constant 0 : i32
      %cond3A_125 = arith.cmpi ne, %convert_element_type3A_123, %cond3A_124 : i32
      scf.if %cond3A_125 {
        %add3A_294 = arith.constant 4 : i32
        %add3A_295 = arith.addi %add3A_101, %add3A_294 : i32
        %dma_start3A_296 = arith.constant 0 : i32
        %dma_start3A_297 = tpu.memref_slice %arg7[%add3A_295, %dma_start3A_296] : memref<80x125xi32, #tpu.memory_space<vmem>> -> memref<1x125xi32, #tpu.memory_space<vmem>>
        %dma_start3A_298 = tpu.memref_squeeze %dma_start3A_297 : memref<1x125xi32, #tpu.memory_space<vmem>> -> memref<125xi32, #tpu.memory_space<vmem>>
        %dma_start3A_299 = arith.constant 0 : i32
        %dma_start3A_300 = arith.constant 0 : i32
        %dma_start3A_301 = tpu.memref_slice %arg18[%dma_start3A_299, %dma_start3A_300] : memref<10240x32xf32, #tpu.memory_space<vmem_shared>> -> memref<10240x32xf32, #tpu.memory_space<vmem_shared>>
        tpu.enqueue_indirect_dma source(%dma_start3A_301 : memref<10240x32xf32, #tpu.memory_space<vmem_shared>>) target(%arg14 : memref<125x32xf32, #tpu.memory_space<vmem>>) offsets(%dma_start3A_298 : memref<125xi32, #tpu.memory_space<vmem>>) semaphore(%arg24 : memref<!tpu.dma_semaphore, #tpu.memory_space<semaphore_mem>>)
      } else {
      }
      %mul3A_126 = arith.constant 8 : i32
      %mul3A_127 = arith.muli %mul3A_126, %scan3A_73 : i32
      %add3A_128 = arith.constant 2 : i32
      %add3A_129 = arith.addi %mul3A_127, %add3A_128 : i32
      %dma_wait3A_130 = arith.constant 0 : i32
      %dma_wait3A_131 = arith.constant 0 : i32
      %dma_wait3A_132 = tpu.memref_slice %arg4[%dma_wait3A_130, %dma_wait3A_131] : memref<10240x32xf32, #tpu.memory_space<hbm>> -> memref<125x32xf32, #tpu.memory_space<hbm>>
      %dma_wait3A_133 = arith.constant 0 : i32
      %dma_wait3A_134 = arith.constant 0 : i32
      %dma_wait3A_135 = tpu.memref_slice %arg4[%dma_wait3A_133, %dma_wait3A_134] : memref<10240x32xf32, #tpu.memory_space<hbm>> -> memref<125x32xf32, #tpu.memory_space<hbm>>
      tpu.wait_dma2 semaphore(%arg21 : memref<!tpu.dma_semaphore, #tpu.memory_space<semaphore_mem>>) src(%dma_wait3A_135 : memref<125x32xf32, #tpu.memory_space<hbm>>) dst(%arg9 : memref<125x32xf32, #tpu.memory_space<vmem>>)
      %dma_start3A_136 = arith.constant 0 : i32
      %dma_start3A_137 = tpu.memref_slice %arg8[%add3A_129, %dma_start3A_136] : memref<80x125xi32, #tpu.memory_space<vmem>> -> memref<1x125xi32, #tpu.memory_space<vmem>>
      %dma_start3A_138 = tpu.memref_squeeze %dma_start3A_137 : memref<1x125xi32, #tpu.memory_space<vmem>> -> memref<125xi32, #tpu.memory_space<vmem>>
      %dma_start3A_139 = arith.constant 0 : i32
      %dma_start3A_140 = arith.constant 0 : i32
      %dma_start3A_141 = tpu.memref_slice %arg17[%dma_start3A_139, %dma_start3A_140] : memref<10240x32xf32, #tpu.memory_space<vmem_shared>> -> memref<10240x32xf32, #tpu.memory_space<vmem_shared>>
      tpu.enqueue_indirect_dma source(%arg11 : memref<125x32xf32, #tpu.memory_space<vmem>>) target(%dma_start3A_141 : memref<10240x32xf32, #tpu.memory_space<vmem_shared>>) offsets(%dma_start3A_138 : memref<125xi32, #tpu.memory_space<vmem>>) semaphore(%arg29 : memref<!tpu.dma_semaphore, #tpu.memory_space<semaphore_mem>>) {add = true}
      %ge3A_142 = arith.constant 4 : i32
      %ge3A_143 = arith.cmpi sge, %add3A_129, %ge3A_142 : i32
      %convert_element_type3A_144 = arith.extui %ge3A_143 : i1 to i32
      %cond3A_145 = arith.constant 0 : i32
      %cond3A_146 = arith.cmpi ne, %convert_element_type3A_144, %cond3A_145 : i32
      scf.if %cond3A_146 {
        %dma_wait3A_294 = arith.constant 0 : i32
        %dma_wait3A_295 = arith.constant 0 : i32
        %dma_wait3A_296 = tpu.memref_slice %arg4[%dma_wait3A_294, %dma_wait3A_295] : memref<10240x32xf32, #tpu.memory_space<hbm>> -> memref<125x32xf32, #tpu.memory_space<hbm>>
        %dma_wait3A_297 = arith.constant 0 : i32
        %dma_wait3A_298 = arith.constant 0 : i32
        %dma_wait3A_299 = tpu.memref_slice %arg4[%dma_wait3A_297, %dma_wait3A_298] : memref<10240x32xf32, #tpu.memory_space<hbm>> -> memref<125x32xf32, #tpu.memory_space<hbm>>
        tpu.wait_dma2 semaphore(%arg33 : memref<!tpu.dma_semaphore, #tpu.memory_space<semaphore_mem>>) src(%dma_wait3A_299 : memref<125x32xf32, #tpu.memory_space<hbm>>) dst(%arg9 : memref<125x32xf32, #tpu.memory_space<vmem>>)
      } else {
      }
      %add3A_147 = arith.constant 4 : i32
      %add3A_148 = arith.addi %add3A_129, %add3A_147 : i32
      %lt3A_149 = arith.constant 80 : i32
      %lt3A_150 = arith.cmpi slt, %add3A_148, %lt3A_149 : i32
      %convert_element_type3A_151 = arith.extui %lt3A_150 : i1 to i32
      %cond3A_152 = arith.constant 0 : i32
      %cond3A_153 = arith.cmpi ne, %convert_element_type3A_151, %cond3A_152 : i32
      scf.if %cond3A_153 {
        %add3A_294 = arith.constant 4 : i32
        %add3A_295 = arith.addi %add3A_129, %add3A_294 : i32
        %dma_start3A_296 = arith.constant 0 : i32
        %dma_start3A_297 = tpu.memref_slice %arg7[%add3A_295, %dma_start3A_296] : memref<80x125xi32, #tpu.memory_space<vmem>> -> memref<1x125xi32, #tpu.memory_space<vmem>>
        %dma_start3A_298 = tpu.memref_squeeze %dma_start3A_297 : memref<1x125xi32, #tpu.memory_space<vmem>> -> memref<125xi32, #tpu.memory_space<vmem>>
        %dma_start3A_299 = arith.constant 0 : i32
        %dma_start3A_300 = arith.constant 0 : i32
        %dma_start3A_301 = tpu.memref_slice %arg18[%dma_start3A_299, %dma_start3A_300] : memref<10240x32xf32, #tpu.memory_space<vmem_shared>> -> memref<10240x32xf32, #tpu.memory_space<vmem_shared>>
        tpu.enqueue_indirect_dma source(%dma_start3A_301 : memref<10240x32xf32, #tpu.memory_space<vmem_shared>>) target(%arg15 : memref<125x32xf32, #tpu.memory_space<vmem>>) offsets(%dma_start3A_298 : memref<125xi32, #tpu.memory_space<vmem>>) semaphore(%arg25 : memref<!tpu.dma_semaphore, #tpu.memory_space<semaphore_mem>>)
      } else {
      }
      %mul3A_154 = arith.constant 8 : i32
      %mul3A_155 = arith.muli %mul3A_154, %scan3A_73 : i32
      %add3A_156 = arith.constant 3 : i32
      %add3A_157 = arith.addi %mul3A_155, %add3A_156 : i32
      %dma_wait3A_158 = arith.constant 0 : i32
      %dma_wait3A_159 = arith.constant 0 : i32
      %dma_wait3A_160 = tpu.memref_slice %arg4[%dma_wait3A_158, %dma_wait3A_159] : memref<10240x32xf32, #tpu.memory_space<hbm>> -> memref<125x32xf32, #tpu.memory_space<hbm>>
      %dma_wait3A_161 = arith.constant 0 : i32
      %dma_wait3A_162 = arith.constant 0 : i32
      %dma_wait3A_163 = tpu.memref_slice %arg4[%dma_wait3A_161, %dma_wait3A_162] : memref<10240x32xf32, #tpu.memory_space<hbm>> -> memref<125x32xf32, #tpu.memory_space<hbm>>
      tpu.wait_dma2 semaphore(%arg22 : memref<!tpu.dma_semaphore, #tpu.memory_space<semaphore_mem>>) src(%dma_wait3A_163 : memref<125x32xf32, #tpu.memory_space<hbm>>) dst(%arg9 : memref<125x32xf32, #tpu.memory_space<vmem>>)
      %dma_start3A_164 = arith.constant 0 : i32
      %dma_start3A_165 = tpu.memref_slice %arg8[%add3A_157, %dma_start3A_164] : memref<80x125xi32, #tpu.memory_space<vmem>> -> memref<1x125xi32, #tpu.memory_space<vmem>>
      %dma_start3A_166 = tpu.memref_squeeze %dma_start3A_165 : memref<1x125xi32, #tpu.memory_space<vmem>> -> memref<125xi32, #tpu.memory_space<vmem>>
      %dma_start3A_167 = arith.constant 0 : i32
      %dma_start3A_168 = arith.constant 0 : i32
      %dma_start3A_169 = tpu.memref_slice %arg17[%dma_start3A_167, %dma_start3A_168] : memref<10240x32xf32, #tpu.memory_space<vmem_shared>> -> memref<10240x32xf32, #tpu.memory_space<vmem_shared>>
      tpu.enqueue_indirect_dma source(%arg12 : memref<125x32xf32, #tpu.memory_space<vmem>>) target(%dma_start3A_169 : memref<10240x32xf32, #tpu.memory_space<vmem_shared>>) offsets(%dma_start3A_166 : memref<125xi32, #tpu.memory_space<vmem>>) semaphore(%arg30 : memref<!tpu.dma_semaphore, #tpu.memory_space<semaphore_mem>>) {add = true}
      %ge3A_170 = arith.constant 4 : i32
      %ge3A_171 = arith.cmpi sge, %add3A_157, %ge3A_170 : i32
      %convert_element_type3A_172 = arith.extui %ge3A_171 : i1 to i32
      %cond3A_173 = arith.constant 0 : i32
      %cond3A_174 = arith.cmpi ne, %convert_element_type3A_172, %cond3A_173 : i32
      scf.if %cond3A_174 {
        %dma_wait3A_294 = arith.constant 0 : i32
        %dma_wait3A_295 = arith.constant 0 : i32
        %dma_wait3A_296 = tpu.memref_slice %arg4[%dma_wait3A_294, %dma_wait3A_295] : memref<10240x32xf32, #tpu.memory_space<hbm>> -> memref<125x32xf32, #tpu.memory_space<hbm>>
        %dma_wait3A_297 = arith.constant 0 : i32
        %dma_wait3A_298 = arith.constant 0 : i32
        %dma_wait3A_299 = tpu.memref_slice %arg4[%dma_wait3A_297, %dma_wait3A_298] : memref<10240x32xf32, #tpu.memory_space<hbm>> -> memref<125x32xf32, #tpu.memory_space<hbm>>
        tpu.wait_dma2 semaphore(%arg34 : memref<!tpu.dma_semaphore, #tpu.memory_space<semaphore_mem>>) src(%dma_wait3A_299 : memref<125x32xf32, #tpu.memory_space<hbm>>) dst(%arg9 : memref<125x32xf32, #tpu.memory_space<vmem>>)
      } else {
      }
      %add3A_175 = arith.constant 4 : i32
      %add3A_176 = arith.addi %add3A_157, %add3A_175 : i32
      %lt3A_177 = arith.constant 80 : i32
      %lt3A_178 = arith.cmpi slt, %add3A_176, %lt3A_177 : i32
      %convert_element_type3A_179 = arith.extui %lt3A_178 : i1 to i32
      %cond3A_180 = arith.constant 0 : i32
      %cond3A_181 = arith.cmpi ne, %convert_element_type3A_179, %cond3A_180 : i32
      scf.if %cond3A_181 {
        %add3A_294 = arith.constant 4 : i32
        %add3A_295 = arith.addi %add3A_157, %add3A_294 : i32
        %dma_start3A_296 = arith.constant 0 : i32
        %dma_start3A_297 = tpu.memref_slice %arg7[%add3A_295, %dma_start3A_296] : memref<80x125xi32, #tpu.memory_space<vmem>> -> memref<1x125xi32, #tpu.memory_space<vmem>>
        %dma_start3A_298 = tpu.memref_squeeze %dma_start3A_297 : memref<1x125xi32, #tpu.memory_space<vmem>> -> memref<125xi32, #tpu.memory_space<vmem>>
        %dma_start3A_299 = arith.constant 0 : i32
        %dma_start3A_300 = arith.constant 0 : i32
        %dma_start3A_301 = tpu.memref_slice %arg18[%dma_start3A_299, %dma_start3A_300] : memref<10240x32xf32, #tpu.memory_space<vmem_shared>> -> memref<10240x32xf32, #tpu.memory_space<vmem_shared>>
        tpu.enqueue_indirect_dma source(%dma_start3A_301 : memref<10240x32xf32, #tpu.memory_space<vmem_shared>>) target(%arg16 : memref<125x32xf32, #tpu.memory_space<vmem>>) offsets(%dma_start3A_298 : memref<125xi32, #tpu.memory_space<vmem>>) semaphore(%arg26 : memref<!tpu.dma_semaphore, #tpu.memory_space<semaphore_mem>>)
      } else {
      }
      %mul3A_182 = arith.constant 8 : i32
      %mul3A_183 = arith.muli %mul3A_182, %scan3A_73 : i32
      %add3A_184 = arith.constant 4 : i32
      %add3A_185 = arith.addi %mul3A_183, %add3A_184 : i32
      %dma_wait3A_186 = arith.constant 0 : i32
      %dma_wait3A_187 = arith.constant 0 : i32
      %dma_wait3A_188 = tpu.memref_slice %arg4[%dma_wait3A_186, %dma_wait3A_187] : memref<10240x32xf32, #tpu.memory_space<hbm>> -> memref<125x32xf32, #tpu.memory_space<hbm>>
      %dma_wait3A_189 = arith.constant 0 : i32
      %dma_wait3A_190 = arith.constant 0 : i32
      %dma_wait3A_191 = tpu.memref_slice %arg4[%dma_wait3A_189, %dma_wait3A_190] : memref<10240x32xf32, #tpu.memory_space<hbm>> -> memref<125x32xf32, #tpu.memory_space<hbm>>
      tpu.wait_dma2 semaphore(%arg23 : memref<!tpu.dma_semaphore, #tpu.memory_space<semaphore_mem>>) src(%dma_wait3A_191 : memref<125x32xf32, #tpu.memory_space<hbm>>) dst(%arg9 : memref<125x32xf32, #tpu.memory_space<vmem>>)
      %dma_start3A_192 = arith.constant 0 : i32
      %dma_start3A_193 = tpu.memref_slice %arg8[%add3A_185, %dma_start3A_192] : memref<80x125xi32, #tpu.memory_space<vmem>> -> memref<1x125xi32, #tpu.memory_space<vmem>>
      %dma_start3A_194 = tpu.memref_squeeze %dma_start3A_193 : memref<1x125xi32, #tpu.memory_space<vmem>> -> memref<125xi32, #tpu.memory_space<vmem>>
      %dma_start3A_195 = arith.constant 0 : i32
      %dma_start3A_196 = arith.constant 0 : i32
      %dma_start3A_197 = tpu.memref_slice %arg17[%dma_start3A_195, %dma_start3A_196] : memref<10240x32xf32, #tpu.memory_space<vmem_shared>> -> memref<10240x32xf32, #tpu.memory_space<vmem_shared>>
      tpu.enqueue_indirect_dma source(%arg13 : memref<125x32xf32, #tpu.memory_space<vmem>>) target(%dma_start3A_197 : memref<10240x32xf32, #tpu.memory_space<vmem_shared>>) offsets(%dma_start3A_194 : memref<125xi32, #tpu.memory_space<vmem>>) semaphore(%arg31 : memref<!tpu.dma_semaphore, #tpu.memory_space<semaphore_mem>>) {add = true}
      %ge3A_198 = arith.constant 4 : i32
      %ge3A_199 = arith.cmpi sge, %add3A_185, %ge3A_198 : i32
      %convert_element_type3A_200 = arith.extui %ge3A_199 : i1 to i32
      %cond3A_201 = arith.constant 0 : i32
      %cond3A_202 = arith.cmpi ne, %convert_element_type3A_200, %cond3A_201 : i32
      scf.if %cond3A_202 {
        %dma_wait3A_294 = arith.constant 0 : i32
        %dma_wait3A_295 = arith.constant 0 : i32
        %dma_wait3A_296 = tpu.memref_slice %arg4[%dma_wait3A_294, %dma_wait3A_295] : memref<10240x32xf32, #tpu.memory_space<hbm>> -> memref<125x32xf32, #tpu.memory_space<hbm>>
        %dma_wait3A_297 = arith.constant 0 : i32
        %dma_wait3A_298 = arith.constant 0 : i32
        %dma_wait3A_299 = tpu.memref_slice %arg4[%dma_wait3A_297, %dma_wait3A_298] : memref<10240x32xf32, #tpu.memory_space<hbm>> -> memref<125x32xf32, #tpu.memory_space<hbm>>
        tpu.wait_dma2 semaphore(%arg27 : memref<!tpu.dma_semaphore, #tpu.memory_space<semaphore_mem>>) src(%dma_wait3A_299 : memref<125x32xf32, #tpu.memory_space<hbm>>) dst(%arg9 : memref<125x32xf32, #tpu.memory_space<vmem>>)
      } else {
      }
      %add3A_203 = arith.constant 4 : i32
      %add3A_204 = arith.addi %add3A_185, %add3A_203 : i32
      %lt3A_205 = arith.constant 80 : i32
      %lt3A_206 = arith.cmpi slt, %add3A_204, %lt3A_205 : i32
      %convert_element_type3A_207 = arith.extui %lt3A_206 : i1 to i32
      %cond3A_208 = arith.constant 0 : i32
      %cond3A_209 = arith.cmpi ne, %convert_element_type3A_207, %cond3A_208 : i32
      scf.if %cond3A_209 {
        %add3A_294 = arith.constant 4 : i32
        %add3A_295 = arith.addi %add3A_185, %add3A_294 : i32
        %dma_start3A_296 = arith.constant 0 : i32
        %dma_start3A_297 = tpu.memref_slice %arg7[%add3A_295, %dma_start3A_296] : memref<80x125xi32, #tpu.memory_space<vmem>> -> memref<1x125xi32, #tpu.memory_space<vmem>>
        %dma_start3A_298 = tpu.memref_squeeze %dma_start3A_297 : memref<1x125xi32, #tpu.memory_space<vmem>> -> memref<125xi32, #tpu.memory_space<vmem>>
        %dma_start3A_299 = arith.constant 0 : i32
        %dma_start3A_300 = arith.constant 0 : i32
        %dma_start3A_301 = tpu.memref_slice %arg18[%dma_start3A_299, %dma_start3A_300] : memref<10240x32xf32, #tpu.memory_space<vmem_shared>> -> memref<10240x32xf32, #tpu.memory_space<vmem_shared>>
        tpu.enqueue_indirect_dma source(%dma_start3A_301 : memref<10240x32xf32, #tpu.memory_space<vmem_shared>>) target(%arg9 : memref<125x32xf32, #tpu.memory_space<vmem>>) offsets(%dma_start3A_298 : memref<125xi32, #tpu.memory_space<vmem>>) semaphore(%arg19 : memref<!tpu.dma_semaphore, #tpu.memory_space<semaphore_mem>>)
      } else {
      }
      %mul3A_210 = arith.constant 8 : i32
      %mul3A_211 = arith.muli %mul3A_210, %scan3A_73 : i32
      %add3A_212 = arith.constant 5 : i32
      %add3A_213 = arith.addi %mul3A_211, %add3A_212 : i32
      %dma_wait3A_214 = arith.constant 0 : i32
      %dma_wait3A_215 = arith.constant 0 : i32
      %dma_wait3A_216 = tpu.memref_slice %arg4[%dma_wait3A_214, %dma_wait3A_215] : memref<10240x32xf32, #tpu.memory_space<hbm>> -> memref<125x32xf32, #tpu.memory_space<hbm>>
      %dma_wait3A_217 = arith.constant 0 : i32
      %dma_wait3A_218 = arith.constant 0 : i32
      %dma_wait3A_219 = tpu.memref_slice %arg4[%dma_wait3A_217, %dma_wait3A_218] : memref<10240x32xf32, #tpu.memory_space<hbm>> -> memref<125x32xf32, #tpu.memory_space<hbm>>
      tpu.wait_dma2 semaphore(%arg24 : memref<!tpu.dma_semaphore, #tpu.memory_space<semaphore_mem>>) src(%dma_wait3A_219 : memref<125x32xf32, #tpu.memory_space<hbm>>) dst(%arg9 : memref<125x32xf32, #tpu.memory_space<vmem>>)
      %dma_start3A_220 = arith.constant 0 : i32
      %dma_start3A_221 = tpu.memref_slice %arg8[%add3A_213, %dma_start3A_220] : memref<80x125xi32, #tpu.memory_space<vmem>> -> memref<1x125xi32, #tpu.memory_space<vmem>>
      %dma_start3A_222 = tpu.memref_squeeze %dma_start3A_221 : memref<1x125xi32, #tpu.memory_space<vmem>> -> memref<125xi32, #tpu.memory_space<vmem>>
      %dma_start3A_223 = arith.constant 0 : i32
      %dma_start3A_224 = arith.constant 0 : i32
      %dma_start3A_225 = tpu.memref_slice %arg17[%dma_start3A_223, %dma_start3A_224] : memref<10240x32xf32, #tpu.memory_space<vmem_shared>> -> memref<10240x32xf32, #tpu.memory_space<vmem_shared>>
      tpu.enqueue_indirect_dma source(%arg14 : memref<125x32xf32, #tpu.memory_space<vmem>>) target(%dma_start3A_225 : memref<10240x32xf32, #tpu.memory_space<vmem_shared>>) offsets(%dma_start3A_222 : memref<125xi32, #tpu.memory_space<vmem>>) semaphore(%arg32 : memref<!tpu.dma_semaphore, #tpu.memory_space<semaphore_mem>>) {add = true}
      %ge3A_226 = arith.constant 4 : i32
      %ge3A_227 = arith.cmpi sge, %add3A_213, %ge3A_226 : i32
      %convert_element_type3A_228 = arith.extui %ge3A_227 : i1 to i32
      %cond3A_229 = arith.constant 0 : i32
      %cond3A_230 = arith.cmpi ne, %convert_element_type3A_228, %cond3A_229 : i32
      scf.if %cond3A_230 {
        %dma_wait3A_294 = arith.constant 0 : i32
        %dma_wait3A_295 = arith.constant 0 : i32
        %dma_wait3A_296 = tpu.memref_slice %arg4[%dma_wait3A_294, %dma_wait3A_295] : memref<10240x32xf32, #tpu.memory_space<hbm>> -> memref<125x32xf32, #tpu.memory_space<hbm>>
        %dma_wait3A_297 = arith.constant 0 : i32
        %dma_wait3A_298 = arith.constant 0 : i32
        %dma_wait3A_299 = tpu.memref_slice %arg4[%dma_wait3A_297, %dma_wait3A_298] : memref<10240x32xf32, #tpu.memory_space<hbm>> -> memref<125x32xf32, #tpu.memory_space<hbm>>
        tpu.wait_dma2 semaphore(%arg28 : memref<!tpu.dma_semaphore, #tpu.memory_space<semaphore_mem>>) src(%dma_wait3A_299 : memref<125x32xf32, #tpu.memory_space<hbm>>) dst(%arg9 : memref<125x32xf32, #tpu.memory_space<vmem>>)
      } else {
      }
      %add3A_231 = arith.constant 4 : i32
      %add3A_232 = arith.addi %add3A_213, %add3A_231 : i32
      %lt3A_233 = arith.constant 80 : i32
      %lt3A_234 = arith.cmpi slt, %add3A_232, %lt3A_233 : i32
      %convert_element_type3A_235 = arith.extui %lt3A_234 : i1 to i32
      %cond3A_236 = arith.constant 0 : i32
      %cond3A_237 = arith.cmpi ne, %convert_element_type3A_235, %cond3A_236 : i32
      scf.if %cond3A_237 {
        %add3A_294 = arith.constant 4 : i32
        %add3A_295 = arith.addi %add3A_213, %add3A_294 : i32
        %dma_start3A_296 = arith.constant 0 : i32
        %dma_start3A_297 = tpu.memref_slice %arg7[%add3A_295, %dma_start3A_296] : memref<80x125xi32, #tpu.memory_space<vmem>> -> memref<1x125xi32, #tpu.memory_space<vmem>>
        %dma_start3A_298 = tpu.memref_squeeze %dma_start3A_297 : memref<1x125xi32, #tpu.memory_space<vmem>> -> memref<125xi32, #tpu.memory_space<vmem>>
        %dma_start3A_299 = arith.constant 0 : i32
        %dma_start3A_300 = arith.constant 0 : i32
        %dma_start3A_301 = tpu.memref_slice %arg18[%dma_start3A_299, %dma_start3A_300] : memref<10240x32xf32, #tpu.memory_space<vmem_shared>> -> memref<10240x32xf32, #tpu.memory_space<vmem_shared>>
        tpu.enqueue_indirect_dma source(%dma_start3A_301 : memref<10240x32xf32, #tpu.memory_space<vmem_shared>>) target(%arg10 : memref<125x32xf32, #tpu.memory_space<vmem>>) offsets(%dma_start3A_298 : memref<125xi32, #tpu.memory_space<vmem>>) semaphore(%arg20 : memref<!tpu.dma_semaphore, #tpu.memory_space<semaphore_mem>>)
      } else {
      }
      %mul3A_238 = arith.constant 8 : i32
      %mul3A_239 = arith.muli %mul3A_238, %scan3A_73 : i32
      %add3A_240 = arith.constant 6 : i32
      %add3A_241 = arith.addi %mul3A_239, %add3A_240 : i32
      %dma_wait3A_242 = arith.constant 0 : i32
      %dma_wait3A_243 = arith.constant 0 : i32
      %dma_wait3A_244 = tpu.memref_slice %arg4[%dma_wait3A_242, %dma_wait3A_243] : memref<10240x32xf32, #tpu.memory_space<hbm>> -> memref<125x32xf32, #tpu.memory_space<hbm>>
      %dma_wait3A_245 = arith.constant 0 : i32
      %dma_wait3A_246 = arith.constant 0 : i32
      %dma_wait3A_247 = tpu.memref_slice %arg4[%dma_wait3A_245, %dma_wait3A_246] : memref<10240x32xf32, #tpu.memory_space<hbm>> -> memref<125x32xf32, #tpu.memory_space<hbm>>
      tpu.wait_dma2 semaphore(%arg25 : memref<!tpu.dma_semaphore, #tpu.memory_space<semaphore_mem>>) src(%dma_wait3A_247 : memref<125x32xf32, #tpu.memory_space<hbm>>) dst(%arg9 : memref<125x32xf32, #tpu.memory_space<vmem>>)
      %dma_start3A_248 = arith.constant 0 : i32
      %dma_start3A_249 = tpu.memref_slice %arg8[%add3A_241, %dma_start3A_248] : memref<80x125xi32, #tpu.memory_space<vmem>> -> memref<1x125xi32, #tpu.memory_space<vmem>>
      %dma_start3A_250 = tpu.memref_squeeze %dma_start3A_249 : memref<1x125xi32, #tpu.memory_space<vmem>> -> memref<125xi32, #tpu.memory_space<vmem>>
      %dma_start3A_251 = arith.constant 0 : i32
      %dma_start3A_252 = arith.constant 0 : i32
      %dma_start3A_253 = tpu.memref_slice %arg17[%dma_start3A_251, %dma_start3A_252] : memref<10240x32xf32, #tpu.memory_space<vmem_shared>> -> memref<10240x32xf32, #tpu.memory_space<vmem_shared>>
      tpu.enqueue_indirect_dma source(%arg15 : memref<125x32xf32, #tpu.memory_space<vmem>>) target(%dma_start3A_253 : memref<10240x32xf32, #tpu.memory_space<vmem_shared>>) offsets(%dma_start3A_250 : memref<125xi32, #tpu.memory_space<vmem>>) semaphore(%arg33 : memref<!tpu.dma_semaphore, #tpu.memory_space<semaphore_mem>>) {add = true}
      %ge3A_254 = arith.constant 4 : i32
      %ge3A_255 = arith.cmpi sge, %add3A_241, %ge3A_254 : i32
      %convert_element_type3A_256 = arith.extui %ge3A_255 : i1 to i32
      %cond3A_257 = arith.constant 0 : i32
      %cond3A_258 = arith.cmpi ne, %convert_element_type3A_256, %cond3A_257 : i32
      scf.if %cond3A_258 {
        %dma_wait3A_294 = arith.constant 0 : i32
        %dma_wait3A_295 = arith.constant 0 : i32
        %dma_wait3A_296 = tpu.memref_slice %arg4[%dma_wait3A_294, %dma_wait3A_295] : memref<10240x32xf32, #tpu.memory_space<hbm>> -> memref<125x32xf32, #tpu.memory_space<hbm>>
        %dma_wait3A_297 = arith.constant 0 : i32
        %dma_wait3A_298 = arith.constant 0 : i32
        %dma_wait3A_299 = tpu.memref_slice %arg4[%dma_wait3A_297, %dma_wait3A_298] : memref<10240x32xf32, #tpu.memory_space<hbm>> -> memref<125x32xf32, #tpu.memory_space<hbm>>
        tpu.wait_dma2 semaphore(%arg29 : memref<!tpu.dma_semaphore, #tpu.memory_space<semaphore_mem>>) src(%dma_wait3A_299 : memref<125x32xf32, #tpu.memory_space<hbm>>) dst(%arg9 : memref<125x32xf32, #tpu.memory_space<vmem>>)
      } else {
      }
      %add3A_259 = arith.constant 4 : i32
      %add3A_260 = arith.addi %add3A_241, %add3A_259 : i32
      %lt3A_261 = arith.constant 80 : i32
      %lt3A_262 = arith.cmpi slt, %add3A_260, %lt3A_261 : i32
      %convert_element_type3A_263 = arith.extui %lt3A_262 : i1 to i32
      %cond3A_264 = arith.constant 0 : i32
      %cond3A_265 = arith.cmpi ne, %convert_element_type3A_263, %cond3A_264 : i32
      scf.if %cond3A_265 {
        %add3A_294 = arith.constant 4 : i32
        %add3A_295 = arith.addi %add3A_241, %add3A_294 : i32
        %dma_start3A_296 = arith.constant 0 : i32
        %dma_start3A_297 = tpu.memref_slice %arg7[%add3A_295, %dma_start3A_296] : memref<80x125xi32, #tpu.memory_space<vmem>> -> memref<1x125xi32, #tpu.memory_space<vmem>>
        %dma_start3A_298 = tpu.memref_squeeze %dma_start3A_297 : memref<1x125xi32, #tpu.memory_space<vmem>> -> memref<125xi32, #tpu.memory_space<vmem>>
        %dma_start3A_299 = arith.constant 0 : i32
        %dma_start3A_300 = arith.constant 0 : i32
        %dma_start3A_301 = tpu.memref_slice %arg18[%dma_start3A_299, %dma_start3A_300] : memref<10240x32xf32, #tpu.memory_space<vmem_shared>> -> memref<10240x32xf32, #tpu.memory_space<vmem_shared>>
        tpu.enqueue_indirect_dma source(%dma_start3A_301 : memref<10240x32xf32, #tpu.memory_space<vmem_shared>>) target(%arg11 : memref<125x32xf32, #tpu.memory_space<vmem>>) offsets(%dma_start3A_298 : memref<125xi32, #tpu.memory_space<vmem>>) semaphore(%arg21 : memref<!tpu.dma_semaphore, #tpu.memory_space<semaphore_mem>>)
      } else {
      }
      %mul3A_266 = arith.constant 8 : i32
      %mul3A_267 = arith.muli %mul3A_266, %scan3A_73 : i32
      %add3A_268 = arith.constant 7 : i32
      %add3A_269 = arith.addi %mul3A_267, %add3A_268 : i32
      %dma_wait3A_270 = arith.constant 0 : i32
      %dma_wait3A_271 = arith.constant 0 : i32
      %dma_wait3A_272 = tpu.memref_slice %arg4[%dma_wait3A_270, %dma_wait3A_271] : memref<10240x32xf32, #tpu.memory_space<hbm>> -> memref<125x32xf32, #tpu.memory_space<hbm>>
      %dma_wait3A_273 = arith.constant 0 : i32
      %dma_wait3A_274 = arith.constant 0 : i32
      %dma_wait3A_275 = tpu.memref_slice %arg4[%dma_wait3A_273, %dma_wait3A_274] : memref<10240x32xf32, #tpu.memory_space<hbm>> -> memref<125x32xf32, #tpu.memory_space<hbm>>
      tpu.wait_dma2 semaphore(%arg26 : memref<!tpu.dma_semaphore, #tpu.memory_space<semaphore_mem>>) src(%dma_wait3A_275 : memref<125x32xf32, #tpu.memory_space<hbm>>) dst(%arg9 : memref<125x32xf32, #tpu.memory_space<vmem>>)
      %dma_start3A_276 = arith.constant 0 : i32
      %dma_start3A_277 = tpu.memref_slice %arg8[%add3A_269, %dma_start3A_276] : memref<80x125xi32, #tpu.memory_space<vmem>> -> memref<1x125xi32, #tpu.memory_space<vmem>>
      %dma_start3A_278 = tpu.memref_squeeze %dma_start3A_277 : memref<1x125xi32, #tpu.memory_space<vmem>> -> memref<125xi32, #tpu.memory_space<vmem>>
      %dma_start3A_279 = arith.constant 0 : i32
      %dma_start3A_280 = arith.constant 0 : i32
      %dma_start3A_281 = tpu.memref_slice %arg17[%dma_start3A_279, %dma_start3A_280] : memref<10240x32xf32, #tpu.memory_space<vmem_shared>> -> memref<10240x32xf32, #tpu.memory_space<vmem_shared>>
      tpu.enqueue_indirect_dma source(%arg16 : memref<125x32xf32, #tpu.memory_space<vmem>>) target(%dma_start3A_281 : memref<10240x32xf32, #tpu.memory_space<vmem_shared>>) offsets(%dma_start3A_278 : memref<125xi32, #tpu.memory_space<vmem>>) semaphore(%arg34 : memref<!tpu.dma_semaphore, #tpu.memory_space<semaphore_mem>>) {add = true}
      %ge3A_282 = arith.constant 4 : i32
      %ge3A_283 = arith.cmpi sge, %add3A_269, %ge3A_282 : i32
      %convert_element_type3A_284 = arith.extui %ge3A_283 : i1 to i32
      %cond3A_285 = arith.constant 0 : i32
      %cond3A_286 = arith.cmpi ne, %convert_element_type3A_284, %cond3A_285 : i32
      scf.if %cond3A_286 {
        %dma_wait3A_294 = arith.constant 0 : i32
        %dma_wait3A_295 = arith.constant 0 : i32
        %dma_wait3A_296 = tpu.memref_slice %arg4[%dma_wait3A_294, %dma_wait3A_295] : memref<10240x32xf32, #tpu.memory_space<hbm>> -> memref<125x32xf32, #tpu.memory_space<hbm>>
        %dma_wait3A_297 = arith.constant 0 : i32
        %dma_wait3A_298 = arith.constant 0 : i32
        %dma_wait3A_299 = tpu.memref_slice %arg4[%dma_wait3A_297, %dma_wait3A_298] : memref<10240x32xf32, #tpu.memory_space<hbm>> -> memref<125x32xf32, #tpu.memory_space<hbm>>
        tpu.wait_dma2 semaphore(%arg30 : memref<!tpu.dma_semaphore, #tpu.memory_space<semaphore_mem>>) src(%dma_wait3A_299 : memref<125x32xf32, #tpu.memory_space<hbm>>) dst(%arg9 : memref<125x32xf32, #tpu.memory_space<vmem>>)
      } else {
      }
      %add3A_287 = arith.constant 4 : i32
      %add3A_288 = arith.addi %add3A_269, %add3A_287 : i32
      %lt3A_289 = arith.constant 80 : i32
      %lt3A_290 = arith.cmpi slt, %add3A_288, %lt3A_289 : i32
      %convert_element_type3A_291 = arith.extui %lt3A_290 : i1 to i32
      %cond3A_292 = arith.constant 0 : i32
      %cond3A_293 = arith.cmpi ne, %convert_element_type3A_291, %cond3A_292 : i32
      scf.if %cond3A_293 {
        %add3A_294 = arith.constant 4 : i32
        %add3A_295 = arith.addi %add3A_269, %add3A_294 : i32
        %dma_start3A_296 = arith.constant 0 : i32
        %dma_start3A_297 = tpu.memref_slice %arg7[%add3A_295, %dma_start3A_296] : memref<80x125xi32, #tpu.memory_space<vmem>> -> memref<1x125xi32, #tpu.memory_space<vmem>>
        %dma_start3A_298 = tpu.memref_squeeze %dma_start3A_297 : memref<1x125xi32, #tpu.memory_space<vmem>> -> memref<125xi32, #tpu.memory_space<vmem>>
        %dma_start3A_299 = arith.constant 0 : i32
        %dma_start3A_300 = arith.constant 0 : i32
        %dma_start3A_301 = tpu.memref_slice %arg18[%dma_start3A_299, %dma_start3A_300] : memref<10240x32xf32, #tpu.memory_space<vmem_shared>> -> memref<10240x32xf32, #tpu.memory_space<vmem_shared>>
        tpu.enqueue_indirect_dma source(%dma_start3A_301 : memref<10240x32xf32, #tpu.memory_space<vmem_shared>>) target(%arg12 : memref<125x32xf32, #tpu.memory_space<vmem>>) offsets(%dma_start3A_298 : memref<125xi32, #tpu.memory_space<vmem>>) semaphore(%arg22 : memref<!tpu.dma_semaphore, #tpu.memory_space<semaphore_mem>>)
      } else {
      }
    }
    %scan3A_44 = arith.constant 10 : i32
    %dma_wait3A = arith.constant 0 : i32
    %dma_wait3A_45 = arith.constant 0 : i32
    %dma_wait3A_46 = tpu.memref_slice %arg4[%dma_wait3A, %dma_wait3A_45] : memref<10240x32xf32, #tpu.memory_space<hbm>> -> memref<125x32xf32, #tpu.memory_space<hbm>>
    %dma_wait3A_47 = arith.constant 0 : i32
    %dma_wait3A_48 = arith.constant 0 : i32
    %dma_wait3A_49 = tpu.memref_slice %arg4[%dma_wait3A_47, %dma_wait3A_48] : memref<10240x32xf32, #tpu.memory_space<hbm>> -> memref<125x32xf32, #tpu.memory_space<hbm>>
    tpu.wait_dma2 semaphore(%arg31 : memref<!tpu.dma_semaphore, #tpu.memory_space<semaphore_mem>>) src(%dma_wait3A_49 : memref<125x32xf32, #tpu.memory_space<hbm>>) dst(%arg9 : memref<125x32xf32, #tpu.memory_space<vmem>>)
    %dma_wait3A_50 = arith.constant 0 : i32
    %dma_wait3A_51 = arith.constant 0 : i32
    %dma_wait3A_52 = tpu.memref_slice %arg4[%dma_wait3A_50, %dma_wait3A_51] : memref<10240x32xf32, #tpu.memory_space<hbm>> -> memref<125x32xf32, #tpu.memory_space<hbm>>
    %dma_wait3A_53 = arith.constant 0 : i32
    %dma_wait3A_54 = arith.constant 0 : i32
    %dma_wait3A_55 = tpu.memref_slice %arg4[%dma_wait3A_53, %dma_wait3A_54] : memref<10240x32xf32, #tpu.memory_space<hbm>> -> memref<125x32xf32, #tpu.memory_space<hbm>>
    tpu.wait_dma2 semaphore(%arg32 : memref<!tpu.dma_semaphore, #tpu.memory_space<semaphore_mem>>) src(%dma_wait3A_55 : memref<125x32xf32, #tpu.memory_space<hbm>>) dst(%arg9 : memref<125x32xf32, #tpu.memory_space<vmem>>)
    %dma_wait3A_56 = arith.constant 0 : i32
    %dma_wait3A_57 = arith.constant 0 : i32
    %dma_wait3A_58 = tpu.memref_slice %arg4[%dma_wait3A_56, %dma_wait3A_57] : memref<10240x32xf32, #tpu.memory_space<hbm>> -> memref<125x32xf32, #tpu.memory_space<hbm>>
    %dma_wait3A_59 = arith.constant 0 : i32
    %dma_wait3A_60 = arith.constant 0 : i32
    %dma_wait3A_61 = tpu.memref_slice %arg4[%dma_wait3A_59, %dma_wait3A_60] : memref<10240x32xf32, #tpu.memory_space<hbm>> -> memref<125x32xf32, #tpu.memory_space<hbm>>
    tpu.wait_dma2 semaphore(%arg33 : memref<!tpu.dma_semaphore, #tpu.memory_space<semaphore_mem>>) src(%dma_wait3A_61 : memref<125x32xf32, #tpu.memory_space<hbm>>) dst(%arg9 : memref<125x32xf32, #tpu.memory_space<vmem>>)
    %dma_wait3A_62 = arith.constant 0 : i32
    %dma_wait3A_63 = arith.constant 0 : i32
    %dma_wait3A_64 = tpu.memref_slice %arg4[%dma_wait3A_62, %dma_wait3A_63] : memref<10240x32xf32, #tpu.memory_space<hbm>> -> memref<125x32xf32, #tpu.memory_space<hbm>>
    %dma_wait3A_65 = arith.constant 0 : i32
    %dma_wait3A_66 = arith.constant 0 : i32
    %dma_wait3A_67 = tpu.memref_slice %arg4[%dma_wait3A_65, %dma_wait3A_66] : memref<10240x32xf32, #tpu.memory_space<hbm>> -> memref<125x32xf32, #tpu.memory_space<hbm>>
    tpu.wait_dma2 semaphore(%arg34 : memref<!tpu.dma_semaphore, #tpu.memory_space<semaphore_mem>>) src(%dma_wait3A_67 : memref<125x32xf32, #tpu.memory_space<hbm>>) dst(%arg9 : memref<125x32xf32, #tpu.memory_space<vmem>>)
    %barrier3A_68 = arith.constant 0 : index
    tpu.barrier barrier_id(%barrier3A_68)
    %mul3A_69 = arith.constant 640 : i32
    %mul3A_70 = arith.muli %arg1, %mul3A_69 : i32
    %mul3A_71 = arith.constant 640 : i32
    %mul3A_72 = arith.muli %arg1, %mul3A_71 : i32
    "tpu.region"() ({
      %run_scoped3A = tpu.sem_alloc : memref<!tpu.dma_semaphore, #tpu.memory_space<semaphore_mem>>
      %dma_start3A_73 = arith.constant 0 : i32
      %dma_start3A_74 = tpu.memref_slice %arg6[%arg0, %mul3A_72, %dma_start3A_73] : memref<2x10240x32xf32, #tpu.memory_space<hbm>> -> memref<1x640x32xf32, #tpu.memory_space<hbm>>
      %dma_start3A_75 = tpu.memref_squeeze %dma_start3A_74 : memref<1x640x32xf32, #tpu.memory_space<hbm>> -> memref<640x32xf32, #tpu.memory_space<hbm>>
      %dma_start3A_76 = arith.constant 0 : i32
      %dma_start3A_77 = tpu.memref_slice %arg17[%mul3A_70, %dma_start3A_76] : memref<10240x32xf32, #tpu.memory_space<vmem_shared>> -> memref<640x32xf32, #tpu.memory_space<vmem_shared>>
      tpu.enqueue_dma source(%dma_start3A_77 : memref<640x32xf32, #tpu.memory_space<vmem_shared>>) target(%dma_start3A_75 : memref<640x32xf32, #tpu.memory_space<hbm>>) target_semaphore(%run_scoped3A : memref<!tpu.dma_semaphore, #tpu.memory_space<semaphore_mem>>)
      %dma_wait3A_78 = arith.constant 0 : i32
      %dma_wait3A_79 = tpu.memref_slice %arg6[%arg0, %mul3A_72, %dma_wait3A_78] : memref<2x10240x32xf32, #tpu.memory_space<hbm>> -> memref<1x640x32xf32, #tpu.memory_space<hbm>>
      %dma_wait3A_80 = tpu.memref_squeeze %dma_wait3A_79 : memref<1x640x32xf32, #tpu.memory_space<hbm>> -> memref<640x32xf32, #tpu.memory_space<hbm>>
      %dma_wait3A_81 = arith.constant 0 : i32
      %dma_wait3A_82 = tpu.memref_slice %arg17[%mul3A_70, %dma_wait3A_81] : memref<10240x32xf32, #tpu.memory_space<vmem_shared>> -> memref<640x32xf32, #tpu.memory_space<vmem_shared>>
      tpu.wait_dma2 semaphore(%run_scoped3A : memref<!tpu.dma_semaphore, #tpu.memory_space<semaphore_mem>>) src(%dma_wait3A_82 : memref<640x32xf32, #tpu.memory_space<vmem_shared>>) dst(%dma_wait3A_80 : memref<640x32xf32, #tpu.memory_space<hbm>>)
      tpu.yield
    }) : () -> ()
    return
  }
}

module attributes {stable_mosaic.version = 14 : i64} {
  func.func @body(%arg0: i32, %arg1: memref<2560x128xf32, #tpu.memory_space<vmem>>, %arg2: memref<128x32xf32, #tpu.memory_space<vmem>>, %arg3: memref<2x2560xf32, #tpu.memory_space<vmem>>, %arg4: memref<2560x32xf32, #tpu.memory_space<vmem>>, %arg5: memref<2560x1xf32, #tpu.memory_space<vmem>>) attributes {dimension_semantics = [#tpu.dimension_semantics<arbitrary>], iteration_bounds = array<i64: 4>, scalar_prefetch = 0 : i64, scratch_operands = 0 : i64, tpu.core_type = #tpu.core_type<tc>, window_params = [{transform_indices = @transform_0, window_bounds = array<i64: 2560, 128>}, {pipeline_mode = #tpu.pipeline_mode<synchronous>, transform_indices = @transform_1, window_bounds = array<i64: 128, 32>}, {transform_indices = @transform_2, window_bounds = array<i64: 2, 2560>}, {transform_indices = @transform_3, window_bounds = array<i64: 2560, 32>}, {transform_indices = @transform_4, window_bounds = array<i64: 2560, 1>}]} {
    %get3A = arith.constant 0 : index
    %get3A_0 = arith.constant 0 : index
    %get3A_1 = vector.load %arg1[%get3A, %get3A_0] : memref<2560x128xf32, #tpu.memory_space<vmem>>, vector<2560x128xf32>
    %get3A_2 = arith.constant 0 : index
    %get3A_3 = arith.constant 0 : index
    %get3A_4 = vector.load %arg2[%get3A_2, %get3A_3] : memref<128x32xf32, #tpu.memory_space<vmem>>, vector<128x32xf32>
    %dot_general3A = arith.constant dense<0.000000e+00> : vector<2560x32xf32>
    %dot_general3A_5 = tpu.matmul %get3A_1, %get3A_4, %dot_general3A {dimension_numbers = #tpu.dot_dimension_numbers<[1], [0], [0], [1], [0, 0, 1, 1], [], []>, transpose_lhs_hint = false} : vector<2560x128xf32>, vector<128x32xf32>, vector<2560x32xf32> -> vector<2560x32xf32>
    %get3A_6 = arith.constant 0 : index
    %get3A_7 = arith.constant 0 : index
    %get3A_8 = vector.load %arg3[%get3A_6, %get3A_7] : memref<2x2560xf32, #tpu.memory_space<vmem>>, vector<1x2560xf32>
    %get3A_9 = vector.shape_cast %get3A_8 : vector<1x2560xf32> to vector<2560xf32>
    %get3A_10 = arith.constant 1 : index
    %get3A_11 = arith.constant 0 : index
    %get3A_12 = vector.load %arg3[%get3A_10, %get3A_11] : memref<2x2560xf32, #tpu.memory_space<vmem>>, vector<1x2560xf32>
    %get3A_13 = vector.shape_cast %get3A_12 : vector<1x2560xf32> to vector<2560xf32>
    %add3A = arith.addf %get3A_9, %get3A_13 : vector<2560xf32>
    %add3A_14 = arith.constant 1.000000e+00 : f32
    %add3A_15 = vector.broadcast %add3A_14 : f32 to vector<2560xf32>
    %add3A_16 = arith.addf %add3A, %add3A_15 : vector<2560xf32>
    %rsqrt3A = math.rsqrt %add3A_16 : vector<2560xf32>
    %broadcast_in_dim3A = vector.shape_cast %rsqrt3A : vector<2560xf32> to vector<2560x1xf32>
    %mul3A = vector.broadcast %broadcast_in_dim3A : vector<2560x1xf32> to vector<2560x32xf32>
    %mul3A_17 = arith.mulf %dot_general3A_5, %mul3A : vector<2560x32xf32>
    %swap3A = arith.constant 0 : index
    %swap3A_18 = arith.constant 0 : index
    %swap3A_19 = vector.load %arg4[%swap3A, %swap3A_18] : memref<2560x32xf32, #tpu.memory_space<vmem>>, vector<2560x32xf32>
    tpu.vector_store %arg4[%swap3A, %swap3A_18], %mul3A_17 {strides = array<i32>} : memref<2560x32xf32, #tpu.memory_space<vmem>>, vector<2560x32xf32>,
    %broadcast_in_dim3A_20 = vector.shape_cast %rsqrt3A : vector<2560xf32> to vector<2560x1xf32>
    %swap3A_21 = arith.constant 0 : index
    %swap3A_22 = arith.constant 0 : index
    %swap3A_23 = vector.load %arg5[%swap3A_21, %swap3A_22] : memref<2560x1xf32, #tpu.memory_space<vmem>>, vector<2560x1xf32>
    tpu.vector_store %arg5[%swap3A_21, %swap3A_22], %broadcast_in_dim3A_20 {strides = array<i32>} : memref<2560x1xf32, #tpu.memory_space<vmem>>, vector<2560x1xf32>,
    return
  }
  func.func @transform_0(%arg0: i32) -> (i32, i32) {
    %c0_i32 = arith.constant 0 : i32
    %c0_i32_0 = arith.constant 0 : i32
    return %arg0, %c0_i32 : i32, i32
  }
  func.func @transform_1(%arg0: i32) -> (i32, i32) {
    %c0_i32 = arith.constant 0 : i32
    %c0_i32_0 = arith.constant 0 : i32
    %c0_i32_1 = arith.constant 0 : i32
    return %c0_i32, %c0_i32_0 : i32, i32
  }
  func.func @transform_2(%arg0: i32) -> (i32, i32) {
    %c0_i32 = arith.constant 0 : i32
    %c0_i32_0 = arith.constant 0 : i32
    return %c0_i32, %arg0 : i32, i32
  }
  func.func @transform_3(%arg0: i32) -> (i32, i32) {
    %c0_i32 = arith.constant 0 : i32
    %c0_i32_0 = arith.constant 0 : i32
    return %arg0, %c0_i32 : i32, i32
  }
  func.func @transform_4(%arg0: i32) -> (i32, i32) {
    %c0_i32 = arith.constant 0 : i32
    %c0_i32_0 = arith.constant 0 : i32
    return %arg0, %c0_i32 : i32, i32
  }
}

module attributes {stable_mosaic.version = 14 : i64} {
  func.func @body(%arg0: i32, %arg1: memref<2x2560x32xf32, #tpu.memory_space<vmem>>, %arg2: memref<2560x32xf32, #tpu.memory_space<vmem>>, %arg3: memref<2560x1xf32, #tpu.memory_space<vmem>>, %arg4: memref<1x32xf32, #tpu.memory_space<vmem>>, %arg5: memref<1x2560xi32, #tpu.memory_space<vmem>>, %arg6: memref<32x8xf32, #tpu.memory_space<vmem>>, %arg7: memref<1x8xf32, #tpu.memory_space<vmem>>, %arg8: memref<32x8xf32, #tpu.memory_space<vmem>>, %arg9: memref<1x8xf32, #tpu.memory_space<vmem>>, %arg10: memref<8x100xf32, #tpu.memory_space<vmem>>, %arg11: memref<1x100xf32, #tpu.memory_space<vmem>>, %arg12: memref<64x8xf32, #tpu.memory_space<vmem>>, %arg13: memref<64x100xf32, #tpu.memory_space<vmem>>, %arg14: memref<64x8xf32, #tpu.memory_space<vmem>>, %arg15: memref<64x8xf32, #tpu.memory_space<vmem>>, %arg16: memref<64x32xf32, #tpu.memory_space<vmem>>, %arg17: memref<64x1xf32, #tpu.memory_space<vmem>>) attributes {dimension_semantics = [#tpu.dimension_semantics<arbitrary>], iteration_bounds = array<i64: 4>, scalar_prefetch = 0 : i64, scratch_operands = 2 : i64, tpu.core_type = #tpu.core_type<tc>, window_params = [{transform_indices = @transform_0, window_bounds = array<i64: 2, 2560, 32>}, {transform_indices = @transform_1, window_bounds = array<i64: 2560, 32>}, {transform_indices = @transform_2, window_bounds = array<i64: 2560, 1>}, {pipeline_mode = #tpu.pipeline_mode<synchronous>, transform_indices = @transform_3, window_bounds = array<i64: 1, 32>}, {transform_indices = @transform_4, window_bounds = array<i64: 1, 2560>}, {pipeline_mode = #tpu.pipeline_mode<synchronous>, transform_indices = @transform_5, window_bounds = array<i64: 32, 8>}, {pipeline_mode = #tpu.pipeline_mode<synchronous>, transform_indices = @transform_6, window_bounds = array<i64: 1, 8>}, {pipeline_mode = #tpu.pipeline_mode<synchronous>, transform_indices = @transform_7, window_bounds = array<i64: 32, 8>}, {pipeline_mode = #tpu.pipeline_mode<synchronous>, transform_indices = @transform_8, window_bounds = array<i64: 1, 8>}, {pipeline_mode = #tpu.pipeline_mode<synchronous>, transform_indices = @transform_9, window_bounds = array<i64: 8, 100>}, {pipeline_mode = #tpu.pipeline_mode<synchronous>, transform_indices = @transform_10, window_bounds = array<i64: 1, 100>}, {pipeline_mode = #tpu.pipeline_mode<synchronous>, transform_indices = @transform_11, window_bounds = array<i64: 64, 8>}, {pipeline_mode = #tpu.pipeline_mode<synchronous>, transform_indices = @transform_12, window_bounds = array<i64: 64, 100>}, {pipeline_mode = #tpu.pipeline_mode<synchronous>, transform_indices = @transform_13, window_bounds = array<i64: 64, 8>}, {pipeline_mode = #tpu.pipeline_mode<synchronous>, transform_indices = @transform_14, window_bounds = array<i64: 64, 8>}]} {
    %get3A = arith.constant 0 : index
    %get3A_0 = arith.constant 0 : index
    %get3A_1 = arith.constant 0 : index
    %get3A_2 = vector.load %arg1[%get3A, %get3A_0, %get3A_1] : memref<2x2560x32xf32, #tpu.memory_space<vmem>>, vector<1x2560x32xf32>
    %get3A_3 = vector.shape_cast %get3A_2 : vector<1x2560x32xf32> to vector<2560x32xf32>
    %get3A_4 = arith.constant 1 : index
    %get3A_5 = arith.constant 0 : index
    %get3A_6 = arith.constant 0 : index
    %get3A_7 = vector.load %arg1[%get3A_4, %get3A_5, %get3A_6] : memref<2x2560x32xf32, #tpu.memory_space<vmem>>, vector<1x2560x32xf32>
    %get3A_8 = vector.shape_cast %get3A_7 : vector<1x2560x32xf32> to vector<2560x32xf32>
    %add3A = arith.addf %get3A_3, %get3A_8 : vector<2560x32xf32>
    %get3A_9 = arith.constant 0 : index
    %get3A_10 = arith.constant 0 : index
    %get3A_11 = vector.load %arg2[%get3A_9, %get3A_10] : memref<2560x32xf32, #tpu.memory_space<vmem>>, vector<2560x32xf32>
    %add3A_12 = arith.addf %add3A, %get3A_11 : vector<2560x32xf32>
    %get3A_13 = arith.constant 0 : index
    %get3A_14 = arith.constant 0 : index
    %get3A_15 = vector.load %arg3[%get3A_13, %get3A_14] : memref<2560x1xf32, #tpu.memory_space<vmem>>, vector<2560x1xf32>
    %mul3A = vector.broadcast %get3A_15 : vector<2560x1xf32> to vector<2560x32xf32>
    %mul3A_16 = arith.mulf %add3A_12, %mul3A : vector<2560x32xf32>
    %get3A_17 = arith.constant 0 : index
    %get3A_18 = arith.constant 0 : index
    %get3A_19 = vector.load %arg4[%get3A_17, %get3A_18] : memref<1x32xf32, #tpu.memory_space<vmem>>, vector<1x32xf32>
    %add3A_20 = vector.broadcast %get3A_19 : vector<1x32xf32> to vector<2560x32xf32>
    %add3A_21 = arith.addf %mul3A_16, %add3A_20 : vector<2560x32xf32>
    %max3A = arith.constant 0.000000e+00 : f32
    %max3A_22 = vector.broadcast %max3A : f32 to vector<2560x32xf32>
    %max3A_23 = arith.maximumf %add3A_21, %max3A_22 : vector<2560x32xf32>
    %get3A_24 = arith.constant 0 : index
    %get3A_25 = arith.constant 0 : index
    %get3A_26 = vector.load %arg5[%get3A_24, %get3A_25] : memref<1x2560xi32, #tpu.memory_space<vmem>>, vector<1x2560xi32>
    %iota3A = tpu.iota {dimensions = array<i32: 0>} : vector<64x2560xi32>
    %eq3A = vector.broadcast %get3A_26 : vector<1x2560xi32> to vector<64x2560xi32>
    %eq3A_27 = arith.cmpi eq, %eq3A, %iota3A : vector<64x2560xi32>
    %convert_element_type3A = arith.extui %eq3A_27 : vector<64x2560xi1> to vector<64x2560xi32>
    %convert_element_type3A_28 = arith.sitofp %convert_element_type3A : vector<64x2560xi32> to vector<64x2560xf32>
    %dot_general3A = arith.constant dense<0.000000e+00> : vector<64x32xf32>
    %dot_general3A_29 = tpu.matmul %convert_element_type3A_28, %max3A_23, %dot_general3A {dimension_numbers = #tpu.dot_dimension_numbers<[1], [0], [0], [1], [0, 0, 1, 1], [], []>, transpose_lhs_hint = false} : vector<64x2560xf32>, vector<2560x32xf32>, vector<64x32xf32> -> vector<64x32xf32>
    %reduce_sum3A = arith.constant dense<0.000000e+00> : vector<64xf32>
    %reduce_sum3A_30 = vector.multi_reduction <add>, %convert_element_type3A_28, %reduce_sum3A [1] : vector<64x2560xf32> to vector<64xf32>
    %broadcast_in_dim3A = vector.shape_cast %reduce_sum3A_30 : vector<64xf32> to vector<64x1xf32>
    %eq3A_31 = arith.constant 0 : i32
    %eq3A_32 = arith.cmpi eq, %arg0, %eq3A_31 : i32
    %convert_element_type3A_33 = arith.extui %eq3A_32 : i1 to i32
    %cond3A = arith.constant 0 : i32
    %cond3A_34 = arith.cmpi ne, %convert_element_type3A_33, %cond3A : i32
    scf.if %cond3A_34 {
      %swap3A = arith.constant 0 : index
      %swap3A_44 = arith.constant 0 : index
      %swap3A_45 = vector.load %arg16[%swap3A, %swap3A_44] : memref<64x32xf32, #tpu.memory_space<vmem>>, vector<64x32xf32>
      tpu.vector_store %arg16[%swap3A, %swap3A_44], %dot_general3A_29 {strides = array<i32>} : memref<64x32xf32, #tpu.memory_space<vmem>>, vector<64x32xf32>,
      %swap3A_46 = arith.constant 0 : index
      %swap3A_47 = arith.constant 0 : index
      %swap3A_48 = vector.load %arg17[%swap3A_46, %swap3A_47] : memref<64x1xf32, #tpu.memory_space<vmem>>, vector<64x1xf32>
      tpu.vector_store %arg17[%swap3A_46, %swap3A_47], %broadcast_in_dim3A {strides = array<i32>} : memref<64x1xf32, #tpu.memory_space<vmem>>, vector<64x1xf32>,
    } else {
    }
    %gt3A = arith.constant 0 : i32
    %gt3A_35 = arith.cmpi sgt, %arg0, %gt3A : i32
    %convert_element_type3A_36 = arith.extui %gt3A_35 : i1 to i32
    %cond3A_37 = arith.constant 0 : i32
    %cond3A_38 = arith.cmpi ne, %convert_element_type3A_36, %cond3A_37 : i32
    scf.if %cond3A_38 {
      %get3A_44 = arith.constant 0 : index
      %get3A_45 = arith.constant 0 : index
      %get3A_46 = vector.load %arg16[%get3A_44, %get3A_45] : memref<64x32xf32, #tpu.memory_space<vmem>>, vector<64x32xf32>
      %add3A_47 = arith.addf %get3A_46, %dot_general3A_29 : vector<64x32xf32>
      %swap3A = arith.constant 0 : index
      %swap3A_48 = arith.constant 0 : index
      %swap3A_49 = vector.load %arg16[%swap3A, %swap3A_48] : memref<64x32xf32, #tpu.memory_space<vmem>>, vector<64x32xf32>
      tpu.vector_store %arg16[%swap3A, %swap3A_48], %add3A_47 {strides = array<i32>} : memref<64x32xf32, #tpu.memory_space<vmem>>, vector<64x32xf32>,
      %get3A_50 = arith.constant 0 : index
      %get3A_51 = arith.constant 0 : index
      %get3A_52 = vector.load %arg17[%get3A_50, %get3A_51] : memref<64x1xf32, #tpu.memory_space<vmem>>, vector<64x1xf32>
      %add3A_53 = arith.addf %get3A_52, %broadcast_in_dim3A : vector<64x1xf32>
      %swap3A_54 = arith.constant 0 : index
      %swap3A_55 = arith.constant 0 : index
      %swap3A_56 = vector.load %arg17[%swap3A_54, %swap3A_55] : memref<64x1xf32, #tpu.memory_space<vmem>>, vector<64x1xf32>
      tpu.vector_store %arg17[%swap3A_54, %swap3A_55], %add3A_53 {strides = array<i32>} : memref<64x1xf32, #tpu.memory_space<vmem>>, vector<64x1xf32>,
    } else {
    }
    %eq3A_39 = arith.constant 3 : i32
    %eq3A_40 = arith.cmpi eq, %arg0, %eq3A_39 : i32
    %convert_element_type3A_41 = arith.extui %eq3A_40 : i1 to i32
    %cond3A_42 = arith.constant 0 : i32
    %cond3A_43 = arith.cmpi ne, %convert_element_type3A_41, %cond3A_42 : i32
    scf.if %cond3A_43 {
      %get3A_44 = arith.constant 0 : index
      %get3A_45 = arith.constant 0 : index
      %get3A_46 = vector.load %arg16[%get3A_44, %get3A_45] : memref<64x32xf32, #tpu.memory_space<vmem>>, vector<64x32xf32>
      %get3A_47 = arith.constant 0 : index
      %get3A_48 = arith.constant 0 : index
      %get3A_49 = vector.load %arg17[%get3A_47, %get3A_48] : memref<64x1xf32, #tpu.memory_space<vmem>>, vector<64x1xf32>
      %max3A_50 = arith.constant 1.000000e+00 : f32
      %max3A_51 = vector.broadcast %max3A_50 : f32 to vector<64x1xf32>
      %max3A_52 = arith.maximumf %get3A_49, %max3A_51 : vector<64x1xf32>
      %div3A = vector.broadcast %max3A_52 : vector<64x1xf32> to vector<64x32xf32>
      %div3A_53 = arith.divf %get3A_46, %div3A : vector<64x32xf32>
      %get3A_54 = arith.constant 0 : index
      %get3A_55 = arith.constant 0 : index
      %get3A_56 = vector.load %arg6[%get3A_54, %get3A_55] : memref<32x8xf32, #tpu.memory_space<vmem>>, vector<32x8xf32>
      %dot_general3A_57 = arith.constant dense<0.000000e+00> : vector<64x8xf32>
      %dot_general3A_58 = tpu.matmul %div3A_53, %get3A_56, %dot_general3A_57 {dimension_numbers = #tpu.dot_dimension_numbers<[1], [0], [0], [1], [0, 0, 1, 1], [], []>, transpose_lhs_hint = false} : vector<64x32xf32>, vector<32x8xf32>, vector<64x8xf32> -> vector<64x8xf32>
      %get3A_59 = arith.constant 0 : index
      %get3A_60 = arith.constant 0 : index
      %get3A_61 = vector.load %arg7[%get3A_59, %get3A_60] : memref<1x8xf32, #tpu.memory_space<vmem>>, vector<1x8xf32>
      %add3A_62 = vector.broadcast %get3A_61 : vector<1x8xf32> to vector<64x8xf32>
      %add3A_63 = arith.addf %dot_general3A_58, %add3A_62 : vector<64x8xf32>
      %get3A_64 = arith.constant 0 : index
      %get3A_65 = arith.constant 0 : index
      %get3A_66 = vector.load %arg8[%get3A_64, %get3A_65] : memref<32x8xf32, #tpu.memory_space<vmem>>, vector<32x8xf32>
      %dot_general3A_67 = arith.constant dense<0.000000e+00> : vector<64x8xf32>
      %dot_general3A_68 = tpu.matmul %div3A_53, %get3A_66, %dot_general3A_67 {dimension_numbers = #tpu.dot_dimension_numbers<[1], [0], [0], [1], [0, 0, 1, 1], [], []>, transpose_lhs_hint = false} : vector<64x32xf32>, vector<32x8xf32>, vector<64x8xf32> -> vector<64x8xf32>
      %get3A_69 = arith.constant 0 : index
      %get3A_70 = arith.constant 0 : index
      %get3A_71 = vector.load %arg9[%get3A_69, %get3A_70] : memref<1x8xf32, #tpu.memory_space<vmem>>, vector<1x8xf32>
      %add3A_72 = vector.broadcast %get3A_71 : vector<1x8xf32> to vector<64x8xf32>
      %add3A_73 = arith.addf %dot_general3A_68, %add3A_72 : vector<64x8xf32>
      %get3A_74 = arith.constant 0 : index
      %get3A_75 = arith.constant 0 : index
      %get3A_76 = vector.load %arg12[%get3A_74, %get3A_75] : memref<64x8xf32, #tpu.memory_space<vmem>>, vector<64x8xf32>
      %mul3A_77 = arith.constant 5.000000e-01 : f32
      %mul3A_78 = vector.broadcast %mul3A_77 : f32 to vector<64x8xf32>
      %mul3A_79 = arith.mulf %mul3A_78, %add3A_73 : vector<64x8xf32>
      %exp3A = math.exp %mul3A_79 : vector<64x8xf32>
      %mul3A_80 = arith.mulf %get3A_76, %exp3A : vector<64x8xf32>
      %add3A_81 = arith.addf %add3A_63, %mul3A_80 : vector<64x8xf32>
      %get3A_82 = arith.constant 0 : index
      %get3A_83 = arith.constant 0 : index
      %get3A_84 = vector.load %arg10[%get3A_82, %get3A_83] : memref<8x100xf32, #tpu.memory_space<vmem>>, vector<8x100xf32>
      %dot_general3A_85 = arith.constant dense<0.000000e+00> : vector<64x100xf32>
      %dot_general3A_86 = tpu.matmul %add3A_81, %get3A_84, %dot_general3A_85 {dimension_numbers = #tpu.dot_dimension_numbers<[1], [0], [0], [1], [0, 0, 1, 1], [], []>, transpose_lhs_hint = false} : vector<64x8xf32>, vector<8x100xf32>, vector<64x100xf32> -> vector<64x100xf32>
      %get3A_87 = arith.constant 0 : index
      %get3A_88 = arith.constant 0 : index
      %get3A_89 = vector.load %arg11[%get3A_87, %get3A_88] : memref<1x100xf32, #tpu.memory_space<vmem>>, vector<1x100xf32>
      %add3A_90 = vector.broadcast %get3A_89 : vector<1x100xf32> to vector<64x100xf32>
      %add3A_91 = arith.addf %dot_general3A_86, %add3A_90 : vector<64x100xf32>
      %gt3A_92 = arith.constant 0.000000e+00 : f32
      %gt3A_93 = vector.broadcast %gt3A_92 : f32 to vector<64x100xf32>
      %gt3A_94 = arith.cmpf ogt, %add3A_91, %gt3A_93 : vector<64x100xf32>
      %convert_element_type3A_95 = arith.extui %gt3A_94 : vector<64x100xi1> to vector<64x100xi32>
      %convert_element_type3A_96 = arith.sitofp %convert_element_type3A_95 : vector<64x100xi32> to vector<64x100xf32>
      %swap3A = arith.constant 0 : index
      %swap3A_97 = arith.constant 0 : index
      %swap3A_98 = vector.load %arg13[%swap3A, %swap3A_97] : memref<64x100xf32, #tpu.memory_space<vmem>>, vector<64x100xf32>
      tpu.vector_store %arg13[%swap3A, %swap3A_97], %convert_element_type3A_96 {strides = array<i32>} : memref<64x100xf32, #tpu.memory_space<vmem>>, vector<64x100xf32>,
      %swap3A_99 = arith.constant 0 : index
      %swap3A_100 = arith.constant 0 : index
      %swap3A_101 = vector.load %arg14[%swap3A_99, %swap3A_100] : memref<64x8xf32, #tpu.memory_space<vmem>>, vector<64x8xf32>
      tpu.vector_store %arg14[%swap3A_99, %swap3A_100], %add3A_63 {strides = array<i32>} : memref<64x8xf32, #tpu.memory_space<vmem>>, vector<64x8xf32>,
      %swap3A_102 = arith.constant 0 : index
      %swap3A_103 = arith.constant 0 : index
      %swap3A_104 = vector.load %arg15[%swap3A_102, %swap3A_103] : memref<64x8xf32, #tpu.memory_space<vmem>>, vector<64x8xf32>
      tpu.vector_store %arg15[%swap3A_102, %swap3A_103], %add3A_73 {strides = array<i32>} : memref<64x8xf32, #tpu.memory_space<vmem>>, vector<64x8xf32>,
    } else {
    }
    return
  }
  func.func @transform_0(%arg0: i32) -> (i32, i32, i32) {
    %c0_i32 = arith.constant 0 : i32
    %c0_i32_0 = arith.constant 0 : i32
    %c0_i32_1 = arith.constant 0 : i32
    return %c0_i32, %arg0, %c0_i32_0 : i32, i32, i32
  }
  func.func @transform_1(%arg0: i32) -> (i32, i32) {
    %c0_i32 = arith.constant 0 : i32
    %c0_i32_0 = arith.constant 0 : i32
    return %arg0, %c0_i32 : i32, i32
  }
  func.func @transform_2(%arg0: i32) -> (i32, i32) {
    %c0_i32 = arith.constant 0 : i32
    %c0_i32_0 = arith.constant 0 : i32
    return %arg0, %c0_i32 : i32, i32
  }
  func.func @transform_3(%arg0: i32) -> (i32, i32) {
    %c0_i32 = arith.constant 0 : i32
    %c0_i32_0 = arith.constant 0 : i32
    %c0_i32_1 = arith.constant 0 : i32
    return %c0_i32, %c0_i32_0 : i32, i32
  }
  func.func @transform_4(%arg0: i32) -> (i32, i32) {
    %c0_i32 = arith.constant 0 : i32
    %c0_i32_0 = arith.constant 0 : i32
    return %c0_i32, %arg0 : i32, i32
  }
  func.func @transform_5(%arg0: i32) -> (i32, i32) {
    %c0_i32 = arith.constant 0 : i32
    %c0_i32_0 = arith.constant 0 : i32
    %c0_i32_1 = arith.constant 0 : i32
    return %c0_i32, %c0_i32_0 : i32, i32
  }
  func.func @transform_6(%arg0: i32) -> (i32, i32) {
    %c0_i32 = arith.constant 0 : i32
    %c0_i32_0 = arith.constant 0 : i32
    %c0_i32_1 = arith.constant 0 : i32
    return %c0_i32, %c0_i32_0 : i32, i32
  }
  func.func @transform_7(%arg0: i32) -> (i32, i32) {
    %c0_i32 = arith.constant 0 : i32
    %c0_i32_0 = arith.constant 0 : i32
    %c0_i32_1 = arith.constant 0 : i32
    return %c0_i32, %c0_i32_0 : i32, i32
  }
  func.func @transform_8(%arg0: i32) -> (i32, i32) {
    %c0_i32 = arith.constant 0 : i32
    %c0_i32_0 = arith.constant 0 : i32
    %c0_i32_1 = arith.constant 0 : i32
    return %c0_i32, %c0_i32_0 : i32, i32
  }
  func.func @transform_9(%arg0: i32) -> (i32, i32) {
    %c0_i32 = arith.constant 0 : i32
    %c0_i32_0 = arith.constant 0 : i32
    %c0_i32_1 = arith.constant 0 : i32
    return %c0_i32, %c0_i32_0 : i32, i32
  }
  func.func @transform_10(%arg0: i32) -> (i32, i32) {
    %c0_i32 = arith.constant 0 : i32
    %c0_i32_0 = arith.constant 0 : i32
    %c0_i32_1 = arith.constant 0 : i32
    return %c0_i32, %c0_i32_0 : i32, i32
  }
  func.func @transform_11(%arg0: i32) -> (i32, i32) {
    %c0_i32 = arith.constant 0 : i32
    %c0_i32_0 = arith.constant 0 : i32
    %c0_i32_1 = arith.constant 0 : i32
    return %c0_i32, %c0_i32_0 : i32, i32
  }
  func.func @transform_12(%arg0: i32) -> (i32, i32) {
    %c0_i32 = arith.constant 0 : i32
    %c0_i32_0 = arith.constant 0 : i32
    %c0_i32_1 = arith.constant 0 : i32
    return %c0_i32, %c0_i32_0 : i32, i32
  }
  func.func @transform_13(%arg0: i32) -> (i32, i32) {
    %c0_i32 = arith.constant 0 : i32
    %c0_i32_0 = arith.constant 0 : i32
    %c0_i32_1 = arith.constant 0 : i32
    return %c0_i32, %c0_i32_0 : i32, i32
  }
  func.func @transform_14(%arg0: i32) -> (i32, i32) {
    %c0_i32 = arith.constant 0 : i32
    %c0_i32_0 = arith.constant 0 : i32
    %c0_i32_1 = arith.constant 0 : i32
    return %c0_i32, %c0_i32_0 : i32, i32
  }
}

</mosaic_0001>

<sc_bundles>
// kernel: kernel.6.cloned.1.call-start
scs
__scs_entry_jumppad:
0x0: {  	(pc) =	sbr.rel $0x88, $3  }
0x1: {  	(tag) =	ssettag $0x0;
	lr =	simm.s32 $0x1  }
0x2: {  	[smem:$0x3F95] =	sst lr;
	_ =	strace $0xD0000000  }
0x3: {  	_ = 	snop  }
0x4: {  	_ = 	snop  }
0x5: {  	_ = 	snop  }
0x6: {  	_ = 	snop  }
0x7: {  	_ = 	snop  }
__scs_overlays_trampoline_lowered:
0x8: {  	[smem:$0x3FA4] =	sst s0  }
0x9: {  	[smem:$0x3FA5] =	sst s1  }
0xa: {  	[smem:$0x3FA6] =	sst s2  }
0xb: {  	[smem:$0x3FA7] =	sst s3  }
0xc: {  	[smem:$0x3FA8] =	sst s4  }
0xd: {  	[smem:$0x3FA9] =	sst s5  }
0xe: {  	[smem:$0x3FAA] =	sst s6  }
0xf: {  	[smem:$0x3FAB] =	sst s7  }
0x10: {  	[smem:$0x3FAC] =	sst s8  }
0x11: {  	[smem:$0x3FAD] =	sst s9;
	s0 =	simm.s32 @!p0 $0x0  }
0x12: {  	s1 =	sld [smem:$0x3F93];
	s0 =	simm.s32 @p0 $0x1  }
0x13: {  	[smem:$0x3FAE] =	sst s0;
	s0 =	simm.s32 @!p1 $0x0  }
0x14: {  	s2 =	sld [smem:$0x3F92];
	s0 =	simm.s32 @p1 $0x1  }
0x15: {  	[smem:$0x3FAF] =	sst s0;
	s0 =	simm.s32 @!p2 $0x0  }
0x16: {  	s3 =	sld [smem:$0x3FDB];
	s0 =	simm.s32 @p2 $0x1  }
0x17: {  	s4 =	simm.s32 $0x1BF5;
	[smem:$0x3FB1] =	sst s0  }
0x18: {  	s0 =	sld [smem:$0x3F94];
	_ =	swait.ge [sflag:s4], $0x0  }
0x19: {  	s7 =	sld [smem:$0x3F95]  }
0x1a: {  	s8 =	sadd.s32 $0xFFFFE003, lr  }
0x1b: {  	s9 =	sadd.s32 $0xFFFFFEF7, lr;
	s5 =	simm.s32 $0xFFFFFFFF;
	p2 =	slt.u32 s8, $0xFFFFF086  }
0x1c: {  	p1 =	slt.u32 s9, $0xF7A;
	s5 =	simm.s32 @!p2 $0x0  }
0x1d: {  	s5 =	simm.s32 @p1 $0x1;
	p0 =	seq.s32 s7, s2  }
0x1e: {  	s7 =	smul.u32 @!p0 $0xF7A, s2;
	p2 =	seq.s32 @!p0 s5, $0x0  }
0x1f: {  	s9 =	smul.u32 $0xF7A, s1;
	s8 =	simm.s32 @!p0 $0x1BF5;
	p2 =	por !p2, p0  }
0x20: {  	[sflag:s8] =	ssyncset.s32 @!p0 $0xFFFFF086;
	s6 =	sadd.s32 @!p0 s3, s7;
	s7 =	simm.s32 @!p0 $0x108  }
0x21: {  	s3 =	sadd.s32 s3, s9;
	s6 =	sadd.s32 @!p0 $0x88, s6;
	s7 =	simm.s32 @p2 $0x1082  }
0x22: {  	[simem:s7], [sflag:s8] =	dma.local @!p0 [hbm:s6], $0xF7A  }
0x23: {  	s9 =	sor.u32 $0xD0000000, s2;
	s6 =	simm.s32 $0x108;
	_ =	swait.ge @!p0 [sflag:s8], $0x0  }
0x24: {  	s3 =	sadd.s32 $0x88, s3;
	s6 =	simm.s32 @!p1 $0x1082;
	[sflag:s4] =	ssyncset.s32 $0xFFFFF086  }
0x25: {  	[simem:s6], [sflag:s4] =	dma.local [hbm:s3], $0xF7A  }
0x26: {  	[smem:$0x3F95] =	sst s1;
	(tag) =	ssettag s2;
	_ =	strace s9  }
0x27: {  	s1 =	sld [smem:$0x3FA5]  }
0x28: {  	s2 =	sld [smem:$0x3FA6]  }
0x29: {  	s4 =	sld [smem:$0x3FA8]  }
0x2a: {  	p0 =	seq.s32 s5, $0x0;
	s5 =	sld [smem:$0x3FA9]  }
0x2b: {  	s6 =	sld [smem:$0x3FAA]  }
0x2c: {  	s7 =	sld [smem:$0x3FAB]  }
0x2d: {  	s3 =	simm.s32 $0x108;
	s8 =	sld [smem:$0x3FAC]  }
0x2e: {  	s3 =	simm.s32 @!p0 $0x1082;
	s9 =	sld [smem:$0x3FAD]  }
0x2f: {  	lr =	sadd.s32 s0, s3;
	s0 =	sld [smem:$0x3FA4]  }
0x30: {  	s3 =	sld [smem:$0x3FA7]  }
0x31: {  	[smem:$0x3FB0] =	sst s10  }
0x32: {  	s10 =	sld [smem:$0x3FAE];
	_ =	sdelay $0x3  }
0x33: {  	p0 =	seq.s32 s10, $0x1;
	s10 =	sld [smem:$0x3FB0];
	_ =	sdelay $0x3  }
0x34: {  	[smem:$0x3FB0] =	sst s10  }
0x35: {  	s10 =	sld [smem:$0x3FAF];
	_ =	sdelay $0x3  }
0x36: {  	p1 =	seq.s32 s10, $0x1;
	s10 =	sld [smem:$0x3FB0];
	_ =	sdelay $0x3  }
0x37: {  	[smem:$0x3FB0] =	sst s10  }
0x38: {  	s10 =	sld [smem:$0x3FB1]  }
0x39: {  	_ = 	snop;
	(pc) =	sbr.ind lr, $3  }
0x3a: {  	_ = 	snop  }
0x3b: {  	_ = 	snop  }
0x3c: {  	p2 =	seq.s32 s10, $0x1;
	s10 =	sld [smem:$0x3FB0]  }
0x3d: {  	_ =	shalt  }
0x3e: {  	_ =	shalt  }
0x3f: {  	_ =	shalt  }
0x40: {  	_ =	shalt  }
0x41: {  	_ =	shalt  }
0x42: {  	_ =	shalt  }
0x43: {  	_ =	shalt  }
0x44: {  	_ =	shalt  }
0x45: {  	_ =	shalt  }
0x46: {  	_ =	shalt  }
0x47: {  	_ =	shalt  }
0x48: {  	_ =	shalt  }
0x49: {  	_ =	shalt  }
0x4a: {  	_ =	shalt  }
0x4b: {  	_ =	shalt  }
0x4c: {  	_ =	shalt  }
0x4d: {  	_ =	shalt  }
0x4e: {  	_ =	shalt  }
0x4f: {  	_ =	shalt  }
0x50: {  	_ =	shalt  }
0x51: {  	_ =	shalt  }
0x52: {  	_ =	shalt  }
0x53: {  	_ =	shalt  }
0x54: {  	_ =	shalt  }
0x55: {  	_ =	shalt  }
0x56: {  	_ =	shalt  }
0x57: {  	_ =	shalt  }
0x58: {  	_ =	shalt  }
0x59: {  	_ =	shalt  }
0x5a: {  	_ =	shalt  }
0x5b: {  	_ =	shalt  }
0x5c: {  	_ =	shalt  }
0x5d: {  	_ =	shalt  }
0x5e: {  	_ =	shalt  }
0x5f: {  	_ =	shalt  }
0x60: {  	_ =	shalt  }
0x61: {  	_ =	shalt  }
0x62: {  	_ =	shalt  }
0x63: {  	_ =	shalt  }
0x64: {  	_ =	shalt  }
0x65: {  	_ =	shalt  }
0x66: {  	_ =	shalt  }
0x67: {  	_ =	shalt  }
0x68: {  	_ =	shalt  }
0x69: {  	_ =	shalt  }
0x6a: {  	_ =	shalt  }
0x6b: {  	_ =	shalt  }
0x6c: {  	_ =	shalt  }
0x6d: {  	_ =	shalt  }
0x6e: {  	_ =	shalt  }
0x6f: {  	_ =	shalt  }
0x70: {  	_ =	shalt  }
0x71: {  	_ =	shalt  }
0x72: {  	_ =	shalt  }
0x73: {  	_ =	shalt  }
0x74: {  	_ =	shalt  }
0x75: {  	_ =	shalt  }
0x76: {  	_ =	shalt  }
0x77: {  	_ =	shalt  }
0x78: {  	_ =	shalt  }
0x79: {  	_ =	shalt  }
0x7a: {  	_ =	shalt  }
0x7b: {  	_ =	shalt  }
0x7c: {  	_ =	shalt  }
0x7d: {  	_ =	shalt  }
0x7e: {  	_ =	shalt  }
0x7f: {  	_ =	shalt  }
0x80: {  	_ =	shalt  }
0x81: {  	_ =	shalt  }
0x82: {  	_ =	shalt  }
0x83: {  	_ =	shalt  }
0x84: {  	_ =	shalt  }
0x85: {  	_ =	shalt  }
0x86: {  	_ =	shalt  }
0x87: {  	_ =	shalt  }
.Lfunc_end0:
.L_simem_size_0:
called_computation_lowered:
.L_overlay_start_0:
0x88: {  	s2 =	sld [smem:$0x3FD9]  }
0x89: {  	s3 =	sld [smem:$0x3FFE];
	_ =	sdelay $0x1  }
0x8a: {  	s1 =	srdreg.scid  }
0x8b: {  	s0 =	sand.u32 $0x1, s1  }
0x8c: {  	s14 =	sshll.u32 s0, $0xA;
	s2 =	sadd.s32 s3, s2  }
0x8d: {  	s2 =	sadd.s32 s2, s14  }
0x8e: {  	[smem:$0x3FBC] =	sst s2  }
0x8f: {  	_ = 	snop  }
0x90: {  	s2 =	sld [smem:$0x3FD0];
	_ =	sdelay $0x2  }
0x91: {  	s15 =	simm.s32 $0xA;
	s4 =	simm.s32 $0x10  }
0x92: {  	[smem:s4], [sflag:s15] =	dma.local [hbm:s2], $0x1  }
0x93: {  	_ =	swait.eq [sflag:s15], $0x1  }
0x94: {  	[sflag:s15] =	ssyncset.done $0x0  }
0x95: {  	s16 =	sld [smem:$0x10];
	[sflag:s15] =	ssyncadd.s32 $0xFFFFFFFF  }
0x96: {  	s17 =	sld [smem:$0x12];
	(tm) =	ssettm $0x1  }
0x97: {  	s18 =	sld [smem:$0x3FFB];
	_ =	sdelay $0x3  }
0x98: {  	_ =	strace s18  }
0x99: {  	s4 =	sld [smem:$0x3FFC];
	_ =	sdelay $0x3  }
0x9a: {  	_ =	strace s4  }
0x9b: {  	s4 =	sld [smem:$0x3FFD];
	_ =	sdelay $0x3  }
0x9c: {  	_ =	strace s4  }
0x9d: {  	_ =	strace $0x8FFFFFFF  }
0x9e: {  	s19 =	sld [smem:$0x3FDB];
	_ =	sdelay $0x1  }
0x9f: {  	s5 =	simm.s32 $_scs_section_size  }
0xa0: {  	s6 =	simm.s32 $_size__tile_overlayer_lowered;
	s7 =	simm.s32 $_tile_overlayer_lowered  }
0xa1: {  	s22 =	simm.s32 $0x1BFF;
	s21 =	sshll.u32 s7, $0x1;
	s4 =	sadd.s32 s5, s19  }
0xa2: {  	s8 =	simm.s32 $0x0;
	s20 =	sshll.u32 s6, $0x1;
	s6 =	sadd.s32 s21, s4  }
0xa3: {  	[timem:s8], [sflag:s22] =	dma.local [hbm:s6], s20  }
0xa4: {  	_ =	swait.ge [sflag:s22], s20  }
0xa5: {  	s5 =	ssub.s32 $0x0, s20;
	[sflag:s22] =	ssyncset.done $0x0  }
0xa6: {  	[sflag:s22] =	ssyncadd.s32 s5;
	_ =	sdelay $0x1  }
0xa7: {  	s23 =	simm.s32 $0x1B8B  }
0xa8: {  	_ =	swait.ge [sflag:s23], $0x1  }
0xa9: {  	[sflag:s23] =	ssyncset.done $0x0  }
0xaa: {  	s25 =	simm.s32 $0x1B8E;
	s24 =	sld [smem:$0x3FFE];
	[sflag:s23] =	ssyncadd.s32 $0xFFFFFFFF  }
0xab: {  	s26 =	simm.s32 $execute0_lowered;
	[smem:$0x3FD2] =	sst s25  }
0xac: {  	s6 =	sshll.u32 s26, $0x1;
	_ =	strace $0x80000046;
	[dreg:$0x1] =	wrdreg $0xFFFFFFFF  }
0xad: {  	s28 =	simm.s32 $_size_execute0_lowered;
	s4 =	sadd.s32 s4, s6;
	[dreg:$0x0] =	wrdreg $0x0  }
0xae: {  	s6 =	sshll.u32 s28, $0x1;
	[dreg:$0x2] =	wrdreg s4  }
0xaf: {  	[dreg:$0x3] =	wrdreg s6  }
0xb0: {  	[dreg:$0x4] =	wrdreg $0xC0  }
0xb1: {  	_ =	task [dreg:s8], $0x5FFFF  }
0xb2: {  	[dreg:$0x1] =	wrdreg $0xFFFFFFFF  }
0xb3: {  	[dreg:$0x0] =	wrdreg $0x60  }
0xb4: {  	[dreg:$0x2] =	wrdreg s24  }
0xb5: {  	[dreg:$0x3] =	wrdreg s17  }
0xb6: {  	[dreg:$0x4] =	wrdreg s16  }
0xb7: {  	[dreg:$0x5] =	wrdreg $0x28800  }
0xb8: {  	[dreg:$0x6] =	wrdreg $0x9  }
0xb9: {  	_ =	task.clear_ibuf [dreg:s8], $0x7FFFF;
	_ =	strace $0x90000046  }
0xba: {  	s29 =	simm.s32 $0x9;
	_ =	strace $0x80000048  }
0xbb: {  	_ =	swait.ge [sflag:s29], $0x1  }
0xbc: {  	[sflag:s29] =	ssyncadd.s32 $0xFFFFFFFF  }
0xbd: {  	_ =	strace $0x90000048  }
0xbe: {  	_ =	sfence  }
0xbf: {  	s30 =	sld [smem:$0x0];
	_ =	sdelay $0x2  }
0xc0: {  	s31 =	sshll.u32 s1, $0xD;
	s1 =	sshrl.u32 s1, $0x2  }
0xc1: {  	s3 =	sand.u32 $0x4000, s31;
	s1 =	sadd.s32 s1, s30  }
0xc2: {  	s0 =	sor.u32 s3, s0;
	s1 =	sshll.u32 s1, $0x11  }
0xc3: {  	s0 =	sor.u32 s1, s0  }
0xc4: {  	s0 =	sadd.s32 $0x8F2B, s0  }
0xc5: {  	[sflag:s0] =	ssyncadd.remote.s32 $0x1  }
0xc6: {  	_ =	sfence.sel $0xFFFF  }
0xc7: {  	[dreg:$0x0] =	wrdreg $0xFFFFFFFF;
	(pc) =	sbr.abs _section_cstart, $3  }
0xc8: {  	[dreg:$0x1] =	wrdreg $0xFFFFFFFF  }
0xc9: {  	_ =	task.clear_ibuf [dreg:s8], $0x2FFFF;
	_ =	strace $0x9FFFFFFF  }
0xca: {  	(tm) =	ssettm $0x7FFFFFFF  }
0xcb: {  	_ =	shalt  }
tec
execute0_lowered:
.L_overlay_start_1:
0x0: {  	(tag) =	ssettag $0x1  }
0x1: {  	s5 =	rddreg [dreg:$0x0]  }
0x2: {  	s1 =	rddreg [dreg:$0x1]  }
0x3: {  	s7 =	rddreg [dreg:$0x2]  }
0x4: {  	s2 =	rddreg [dreg:$0x3]  }
0x5: {  	s3 =	srdreg.scid;
	s0 =	rddreg [dreg:$0x4]  }
0x6: {  	s4 =	simm.s32 $0x0;
	s13 =	simm.s32 $0x7D;
	s14 =	simm.s32 $0x0  }
0x7: {  	s6 =	sand.u32 $0x1, s3;
	s3 =	stileid.u32;
	[smem:$0x7FF] =	sst s4  }
0x8: {  	s8 =	sshll.u32 s6, $0x4;
	s9 =	smul.u32 $0x280, s3;
	_ =	strace $0x80000047  }
0x9: {  	s11 =	ssub.s32 $0x2, s6;
	s6 =	smul.u32 $0x2800, s6;
	s8 =	sor.u32 s3, s8  }
0xa: {  	s31 =	sshll.u32 s3, $0x6;
	s29 =	sshrl.u32 s11, $0x1;
	s8 =	smul.u32 $0x500, s8  }
0xb: {  	s10 =	sshrl.u32 s9, $0x3;
	s11 =	ssub.s32 s11, s29;
	s30 =	sadd.s32 s9, s6  }
0xc: {  	s12 =	sadd.s32 s9, s2;
	s9 =	simm.s32 $0x1;
	s10 =	sadd.s32 s10, s5  }
0xd: {  	s12 =	sshrl.u32 s12, $0x3;
	s8 =	sadd.s32 s8, s5;
	s6 =	sadd.s32 $0xC000, s10  }
0xe: {  	s10 =	simm.s32 $0x2800;
	s5 =	sadd.s32 $0x2000, s8;
	s8 =	sshrl.u32 s30, $0x3  }
0xf: {  	s7 =	sadd.s32 s7, s8;
	s8 =	smax.u32 s11, $0x1;
	s11 =	sor.u32 $0x1C01, s31  }
.LBB2_1:
0x10: {  	[tilespmem:s4], [sflag:$0x1] =	stream.linear.gather [hbm4b:s5+s4], $0x2800, $0x38;
	[tilespmem:$0x2B00] =	vst v63  }
0x11: {  	_ =	swait.ge [sflag:s9], $0x2800  }
0x12: {  	[sflag:s9] =	ssyncset.done $0x0  }
0x13: {  	[sflag:s9] =	ssyncadd.s32 $0xFFFFD800  }
0x14: {  	[tilespmem:s10], [sflag:$0x1] =	stream.linear.gather [hbm4b:s1+s4], $0x80, $0x38;
	[tilespmem:$0x2B00] =	vst v63  }
0x15: {  	_ =	swait.ge [sflag:s9], $0x80  }
0x16: {  	[sflag:s9] =	ssyncset.done $0x0  }
0x17: {  	[sflag:s9] =	ssyncadd.s32 $0xFFFFFF80  }
0x18: {  	[spmem:s12], [sflag:s11] =	dma.local [hbm:s6], $0x50  }
0x19: {  	_ =	swait.ge [sflag:s9], $0x50  }
0x1a: {  	[sflag:s9] =	ssyncset.done $0x0  }
0x1b: {  	[sflag:s9] =	ssyncadd.s32 $0xFFFFFFB0  }
0x1c: {  	s15 =	simm.s32 $0x0;
	[bflag:$0x0] =	sbarrier.arrive $0xFFFF  }
0x1d: {  	[spmem:s2] =	stream.indirect.scatter.add.f32 [tilespmem:s10], [sflag:$0x1], $0x1, s15, s13, $0xb8;
	[tilespmem:$0x2B00] =	vst v63  }
0x1e: {  	_ =	swait.ge [sflag:s9], $0x7D  }
0x1f: {  	s15 =	simm.s32 $0x200;
	[sflag:s9] =	ssyncset.done $0x0  }
.LBB2_2:
0x20: {  	s16 =	sshra.s32 s15, $0x2;
	[sflag:s9] =	ssyncadd.s32 $0xFFFFFF83;
	p0 =	sne.s32 s15, $0x9E00  }
0x21: {  	[spmem:s2] =	stream.indirect.scatter.add.f32 [tilespmem:s10], [sflag:$0x1], $0x1, s16, s13, $0xb8;
	[tilespmem:$0x2B00] =	vst v63  }
.Ltmp0:
0x22: {  	_ = 	snop;
	(pc) =	sbr.rel @p0 .LBB2_2-.Ltmp0, $4  }
0x23: {  	_ = 	snop  }
0x24: {  	s15 =	sadd.s32 $0x200, s15  }
0x25: {  	_ =	swait.ge [sflag:s9], $0x7D  }
0x26: {  	[sflag:s9] =	ssyncset.done $0x0  }
0x27: {  	s14 =	sadd.s32 $0x1, s14  }
0x28: {  	[sflag:s9] =	ssyncadd.s32 $0xFFFFFF83;
	p0 =	sne.s32 s14, s8  }
.Ltmp1:
0x29: {  	[bflag:$0x0] =	sbarrier.arrive $0xFFFF;
	(pc) =	sbr.rel @p0 .LBB2_1-.Ltmp1, $4  }
0x2a: {  	[hbm:s7], [sflag:s11] =	dma.local [spmem:s12], $0x50  }
0x2b: {  	_ =	swait.ge [sflag:s9], $0x50  }
0x2c: {  	[sflag:s9] =	ssyncset.done $0x0  }
0x2d: {  	[sflag:s9] =	ssyncadd.s32 $0xFFFFFFB0  }
0x2e: {  	_ =	sfence.sel $0x180000  }
0x2f: {  	[bflag:$0x0] =	sbarrier.arrive $0xFFFF  }
0x30: {  	p0 =	sne.s32 s3, $0x0;
	_ =	strace $0x90000047  }
0x31: {  	s0 =	sadd.s32 @!p0 $0x100000, s0;
	[bflag:$0x2] =	sbarrier.arrive $0xFFFF  }
0x32: {  	[sflag:s0] =	ssyncadd.tile.s32 @!p0 $0x1;
	_ =	shalt  }
.Lfunc_end2:
_tile_overlayer_lowered:
.L_overlay_start_2:
0x33: {  	(tag) =	ssettag $0x2  }
0x34: {  	s0 =	rddreg [dreg:$0x0];
	s2 =	stileid.u32  }
0x35: {  	s1 =	rddreg [dreg:$0x1];
	p0 =	sne.s32 s2, $0x0  }
0x36: {  	s3 =	rddreg [dreg:$0x2];
	[bflag:$0x3] =	sbarrier.arrive $0xFFFF;
	s2 =	simm.s32 @!p0 $0x1C01  }
0x37: {  	[timem:s3], [sflag:s2] =	dma.local @!p0 [hbm:s0], s1  }
0x38: {  	s0 =	simm.s32 @!p0 $0x1  }
0x39: {  	_ =	swait.ge @!p0 [sflag:s0], s1  }
0x3a: {  	s1 =	ssub.s32 @!p0 $0x0, s1;
	[sflag:s0] =	ssyncset.done @!p0 $0x0  }
0x3b: {  	[sflag:s0] =	ssyncadd.s32 @!p0 s1  }
0x3c: {  	[bflag:$0x3] =	sbarrier.arrive $0xFFFF  }
0x3d: {  	_ =	shalt  }

// kernel: kernel.9.cloned.1.call-start
scs
__scs_entry_jumppad:
0x0: {  	(pc) =	sbr.rel $0x88, $3  }
0x1: {  	(tag) =	ssettag $0x0;
	lr =	simm.s32 $0x1  }
0x2: {  	[smem:$0x3F95] =	sst lr;
	_ =	strace $0xD0000000  }
0x3: {  	_ = 	snop  }
0x4: {  	_ = 	snop  }
0x5: {  	_ = 	snop  }
0x6: {  	_ = 	snop  }
0x7: {  	_ = 	snop  }
__scs_overlays_trampoline_lowered:
0x8: {  	[smem:$0x3FA4] =	sst s0  }
0x9: {  	[smem:$0x3FA5] =	sst s1  }
0xa: {  	[smem:$0x3FA6] =	sst s2  }
0xb: {  	[smem:$0x3FA7] =	sst s3  }
0xc: {  	[smem:$0x3FA8] =	sst s4  }
0xd: {  	[smem:$0x3FA9] =	sst s5  }
0xe: {  	[smem:$0x3FAA] =	sst s6  }
0xf: {  	[smem:$0x3FAB] =	sst s7  }
0x10: {  	[smem:$0x3FAC] =	sst s8  }
0x11: {  	[smem:$0x3FAD] =	sst s9;
	s0 =	simm.s32 @!p0 $0x0  }
0x12: {  	s1 =	sld [smem:$0x3F93];
	s0 =	simm.s32 @p0 $0x1  }
0x13: {  	[smem:$0x3FAE] =	sst s0;
	s0 =	simm.s32 @!p1 $0x0  }
0x14: {  	s2 =	sld [smem:$0x3F92];
	s0 =	simm.s32 @p1 $0x1  }
0x15: {  	[smem:$0x3FAF] =	sst s0;
	s0 =	simm.s32 @!p2 $0x0  }
0x16: {  	s3 =	sld [smem:$0x3FDB];
	s0 =	simm.s32 @p2 $0x1  }
0x17: {  	s4 =	simm.s32 $0x1BF5;
	[smem:$0x3FB1] =	sst s0  }
0x18: {  	s0 =	sld [smem:$0x3F94];
	_ =	swait.ge [sflag:s4], $0x0  }
0x19: {  	s7 =	sld [smem:$0x3F95]  }
0x1a: {  	s8 =	sadd.s32 $0xFFFFE003, lr  }
0x1b: {  	s9 =	sadd.s32 $0xFFFFFEF7, lr;
	s5 =	simm.s32 $0xFFFFFFFF;
	p2 =	slt.u32 s8, $0xFFFFF086  }
0x1c: {  	p1 =	slt.u32 s9, $0xF7A;
	s5 =	simm.s32 @!p2 $0x0  }
0x1d: {  	s5 =	simm.s32 @p1 $0x1;
	p0 =	seq.s32 s7, s2  }
0x1e: {  	s7 =	smul.u32 @!p0 $0xF7A, s2;
	p2 =	seq.s32 @!p0 s5, $0x0  }
0x1f: {  	s9 =	smul.u32 $0xF7A, s1;
	s8 =	simm.s32 @!p0 $0x1BF5;
	p2 =	por !p2, p0  }
0x20: {  	[sflag:s8] =	ssyncset.s32 @!p0 $0xFFFFF086;
	s6 =	sadd.s32 @!p0 s3, s7;
	s7 =	simm.s32 @!p0 $0x108  }
0x21: {  	s3 =	sadd.s32 s3, s9;
	s6 =	sadd.s32 @!p0 $0x88, s6;
	s7 =	simm.s32 @p2 $0x1082  }
0x22: {  	[simem:s7], [sflag:s8] =	dma.local @!p0 [hbm:s6], $0xF7A  }
0x23: {  	s9 =	sor.u32 $0xD0000000, s2;
	s6 =	simm.s32 $0x108;
	_ =	swait.ge @!p0 [sflag:s8], $0x0  }
0x24: {  	s3 =	sadd.s32 $0x88, s3;
	s6 =	simm.s32 @!p1 $0x1082;
	[sflag:s4] =	ssyncset.s32 $0xFFFFF086  }
0x25: {  	[simem:s6], [sflag:s4] =	dma.local [hbm:s3], $0xF7A  }
0x26: {  	[smem:$0x3F95] =	sst s1;
	(tag) =	ssettag s2;
	_ =	strace s9  }
0x27: {  	s1 =	sld [smem:$0x3FA5]  }
0x28: {  	s2 =	sld [smem:$0x3FA6]  }
0x29: {  	s4 =	sld [smem:$0x3FA8]  }
0x2a: {  	p0 =	seq.s32 s5, $0x0;
	s5 =	sld [smem:$0x3FA9]  }
0x2b: {  	s6 =	sld [smem:$0x3FAA]  }
0x2c: {  	s7 =	sld [smem:$0x3FAB]  }
0x2d: {  	s3 =	simm.s32 $0x108;
	s8 =	sld [smem:$0x3FAC]  }
0x2e: {  	s3 =	simm.s32 @!p0 $0x1082;
	s9 =	sld [smem:$0x3FAD]  }
0x2f: {  	lr =	sadd.s32 s0, s3;
	s0 =	sld [smem:$0x3FA4]  }
0x30: {  	s3 =	sld [smem:$0x3FA7]  }
0x31: {  	[smem:$0x3FB0] =	sst s10  }
0x32: {  	s10 =	sld [smem:$0x3FAE];
	_ =	sdelay $0x3  }
0x33: {  	p0 =	seq.s32 s10, $0x1;
	s10 =	sld [smem:$0x3FB0];
	_ =	sdelay $0x3  }
0x34: {  	[smem:$0x3FB0] =	sst s10  }
0x35: {  	s10 =	sld [smem:$0x3FAF];
	_ =	sdelay $0x3  }
0x36: {  	p1 =	seq.s32 s10, $0x1;
	s10 =	sld [smem:$0x3FB0];
	_ =	sdelay $0x3  }
0x37: {  	[smem:$0x3FB0] =	sst s10  }
0x38: {  	s10 =	sld [smem:$0x3FB1]  }
0x39: {  	_ = 	snop;
	(pc) =	sbr.ind lr, $3  }
0x3a: {  	_ = 	snop  }
0x3b: {  	_ = 	snop  }
0x3c: {  	p2 =	seq.s32 s10, $0x1;
	s10 =	sld [smem:$0x3FB0]  }
0x3d: {  	_ =	shalt  }
0x3e: {  	_ =	shalt  }
0x3f: {  	_ =	shalt  }
0x40: {  	_ =	shalt  }
0x41: {  	_ =	shalt  }
0x42: {  	_ =	shalt  }
0x43: {  	_ =	shalt  }
0x44: {  	_ =	shalt  }
0x45: {  	_ =	shalt  }
0x46: {  	_ =	shalt  }
0x47: {  	_ =	shalt  }
0x48: {  	_ =	shalt  }
0x49: {  	_ =	shalt  }
0x4a: {  	_ =	shalt  }
0x4b: {  	_ =	shalt  }
0x4c: {  	_ =	shalt  }
0x4d: {  	_ =	shalt  }
0x4e: {  	_ =	shalt  }
0x4f: {  	_ =	shalt  }
0x50: {  	_ =	shalt  }
0x51: {  	_ =	shalt  }
0x52: {  	_ =	shalt  }
0x53: {  	_ =	shalt  }
0x54: {  	_ =	shalt  }
0x55: {  	_ =	shalt  }
0x56: {  	_ =	shalt  }
0x57: {  	_ =	shalt  }
0x58: {  	_ =	shalt  }
0x59: {  	_ =	shalt  }
0x5a: {  	_ =	shalt  }
0x5b: {  	_ =	shalt  }
0x5c: {  	_ =	shalt  }
0x5d: {  	_ =	shalt  }
0x5e: {  	_ =	shalt  }
0x5f: {  	_ =	shalt  }
0x60: {  	_ =	shalt  }
0x61: {  	_ =	shalt  }
0x62: {  	_ =	shalt  }
0x63: {  	_ =	shalt  }
0x64: {  	_ =	shalt  }
0x65: {  	_ =	shalt  }
0x66: {  	_ =	shalt  }
0x67: {  	_ =	shalt  }
0x68: {  	_ =	shalt  }
0x69: {  	_ =	shalt  }
0x6a: {  	_ =	shalt  }
0x6b: {  	_ =	shalt  }
0x6c: {  	_ =	shalt  }
0x6d: {  	_ =	shalt  }
0x6e: {  	_ =	shalt  }
0x6f: {  	_ =	shalt  }
0x70: {  	_ =	shalt  }
0x71: {  	_ =	shalt  }
0x72: {  	_ =	shalt  }
0x73: {  	_ =	shalt  }
0x74: {  	_ =	shalt  }
0x75: {  	_ =	shalt  }
0x76: {  	_ =	shalt  }
0x77: {  	_ =	shalt  }
0x78: {  	_ =	shalt  }
0x79: {  	_ =	shalt  }
0x7a: {  	_ =	shalt  }
0x7b: {  	_ =	shalt  }
0x7c: {  	_ =	shalt  }
0x7d: {  	_ =	shalt  }
0x7e: {  	_ =	shalt  }
0x7f: {  	_ =	shalt  }
0x80: {  	_ =	shalt  }
0x81: {  	_ =	shalt  }
0x82: {  	_ =	shalt  }
0x83: {  	_ =	shalt  }
0x84: {  	_ =	shalt  }
0x85: {  	_ =	shalt  }
0x86: {  	_ =	shalt  }
0x87: {  	_ =	shalt  }
.Lfunc_end0:
.L_simem_size_0:
called_computation.1_lowered:
.L_overlay_start_0:
0x88: {  	s2 =	sld [smem:$0x3FD9]  }
0x89: {  	s3 =	sld [smem:$0x3FFE];
	_ =	sdelay $0x1  }
0x8a: {  	s1 =	srdreg.scid  }
0x8b: {  	s0 =	sand.u32 $0x1, s1  }
0x8c: {  	s16 =	sshll.u32 s0, $0xA;
	s2 =	sadd.s32 s3, s2  }
0x8d: {  	s2 =	sadd.s32 s2, s16  }
0x8e: {  	[smem:$0x3FBC] =	sst s2  }
0x8f: {  	_ = 	snop  }
0x90: {  	(tm) =	ssettm $0x1  }
0x91: {  	s17 =	sld [smem:$0x3FFB];
	_ =	sdelay $0x3  }
0x92: {  	_ =	strace s17  }
0x93: {  	s2 =	sld [smem:$0x3FFC];
	_ =	sdelay $0x3  }
0x94: {  	_ =	strace s2  }
0x95: {  	s2 =	sld [smem:$0x3FFD];
	_ =	sdelay $0x3  }
0x96: {  	_ =	strace s2  }
0x97: {  	_ =	strace $0x8FFFFFFF  }
0x98: {  	s18 =	sld [smem:$0x3FDB];
	_ =	sdelay $0x1  }
0x99: {  	s19 =	simm.s32 $_scs_section_size  }
0x9a: {  	s4 =	simm.s32 $_size__tile_overlayer_lowered;
	s5 =	simm.s32 $_tile_overlayer_lowered  }
0x9b: {  	s22 =	simm.s32 $0x1BFF;
	s21 =	sshll.u32 s5, $0x1;
	s2 =	sadd.s32 s19, s18  }
0x9c: {  	s6 =	simm.s32 $0x0;
	s20 =	sshll.u32 s4, $0x1;
	s4 =	sadd.s32 s21, s2  }
0x9d: {  	[timem:s6], [sflag:s22] =	dma.local [hbm:s4], s20  }
0x9e: {  	_ =	swait.ge [sflag:s22], s20  }
0x9f: {  	s3 =	ssub.s32 $0x0, s20;
	[sflag:s22] =	ssyncset.done $0x0  }
0xa0: {  	[sflag:s22] =	ssyncadd.s32 s3;
	_ =	sdelay $0x1  }
0xa1: {  	s23 =	simm.s32 $0x1B8B  }
0xa2: {  	_ =	swait.ge [sflag:s23], $0x1  }
0xa3: {  	[sflag:s23] =	ssyncset.done $0x0  }
0xa4: {  	s25 =	simm.s32 $0x1B8E;
	s24 =	sld [smem:$0x3FFE];
	[sflag:s23] =	ssyncadd.s32 $0xFFFFFFFF  }
0xa5: {  	s26 =	simm.s32 $execute0_lowered;
	[smem:$0x3FD2] =	sst s25  }
0xa6: {  	s4 =	sshll.u32 s26, $0x1;
	_ =	strace $0x80000049;
	[dreg:$0x1] =	wrdreg $0xFFFFFFFF  }
0xa7: {  	s28 =	simm.s32 $_size_execute0_lowered;
	s2 =	sadd.s32 s2, s4;
	[dreg:$0x0] =	wrdreg $0x0  }
0xa8: {  	s4 =	sshll.u32 s28, $0x1;
	[dreg:$0x2] =	wrdreg s2  }
0xa9: {  	[dreg:$0x3] =	wrdreg s4  }
0xaa: {  	[dreg:$0x4] =	wrdreg $0xC0  }
0xab: {  	_ =	task [dreg:s6], $0x5FFFF  }
0xac: {  	[dreg:$0x1] =	wrdreg $0xFFFFFFFF  }
0xad: {  	[dreg:$0x0] =	wrdreg $0x60  }
0xae: {  	[dreg:$0x2] =	wrdreg s24  }
0xaf: {  	[dreg:$0x3] =	wrdreg $0xCD000  }
0xb0: {  	[dreg:$0x4] =	wrdreg $0x11D000  }
0xb1: {  	[dreg:$0x5] =	wrdreg $0x9  }
0xb2: {  	_ =	task.clear_ibuf [dreg:s6], $0x6FFFF;
	_ =	strace $0x90000049  }
0xb3: {  	s29 =	simm.s32 $0x9;
	_ =	strace $0x8000004B  }
0xb4: {  	_ =	swait.ge [sflag:s29], $0x1  }
0xb5: {  	[sflag:s29] =	ssyncadd.s32 $0xFFFFFFFF  }
0xb6: {  	_ =	strace $0x9000004B  }
0xb7: {  	_ =	sfence  }
0xb8: {  	s30 =	sld [smem:$0x0];
	_ =	sdelay $0x2  }
0xb9: {  	s31 =	sshll.u32 s1, $0xD;
	s1 =	sshrl.u32 s1, $0x2  }
0xba: {  	s3 =	sand.u32 $0x4000, s31;
	s1 =	sadd.s32 s1, s30  }
0xbb: {  	s0 =	sor.u32 s3, s0;
	s1 =	sshll.u32 s1, $0x11  }
0xbc: {  	s0 =	sor.u32 s1, s0  }
0xbd: {  	s0 =	sadd.s32 $0x8F2B, s0  }
0xbe: {  	[sflag:s0] =	ssyncadd.remote.s32 $0x1  }
0xbf: {  	_ =	sfence.sel $0xFFFF  }
0xc0: {  	[dreg:$0x0] =	wrdreg $0xFFFFFFFF;
	(pc) =	sbr.abs _section_cstart, $3  }
0xc1: {  	[dreg:$0x1] =	wrdreg $0xFFFFFFFF  }
0xc2: {  	_ =	task.clear_ibuf [dreg:s6], $0x2FFFF;
	_ =	strace $0x9FFFFFFF  }
0xc3: {  	(tm) =	ssettm $0x7FFFFFFF  }
tec
execute0_lowered:
.L_overlay_start_1:
0x0: {  	(tag) =	ssettag $0x1  }
0x1: {  	s0 =	srdreg.scid;
	s4 =	rddreg [dreg:$0x0]  }
0x2: {  	s8 =	stileid.u32;
	s2 =	rddreg [dreg:$0x1]  }
0x3: {  	s3 =	rddreg [dreg:$0x2];
	s7 =	simm.s32 $0x0;
	s11 =	simm.s32 $0x11  }
0x4: {  	s16 =	simm.s32 $0x7D;
	s17 =	simm.s32 $0x5000;
	s28 =	simm.s32 $0x9E20  }
0x5: {  	s29 =	simm.s32 $0x3;
	s30 =	simm.s32 $0xADC0;
	s31 =	simm.s32 $0x4  }
0x6: {  	s12 =	simm.s32 $0x9;
	s18 =	simm.s32 $0x7;
	s10 =	simm.s32 $0x0  }
0x7: {  	s0 =	sand.u32 $0x1, s0;
	s5 =	smul.u32 $0x5000, s8;
	[smem:$0x7FF] =	sst s7  }
0x8: {  	s25 =	sshll.u32 s8, $0x6;
	s1 =	sshll.u32 s0, $0x4;
	s6 =	smul.u32 $0x50000, s0  }
0x9: {  	_ =	strace $0x8000004A;
	s0 =	ssub.s32 $0x2, s0;
	s13 =	sor.u32 $0x1C11, s25  }
0xa: {  	s25 =	simm.s32 $0x8E80;
	s1 =	sor.u32 s8, s1;
	s19 =	sshrl.u32 s5, $0x3  }
0xb: {  	s20 =	sshrl.u32 s0, $0x1;
	s22 =	sadd.s32 s5, s2;
	s1 =	smul.u32 $0x500, s1  }
0xc: {  	s6 =	sadd.s32 s5, s6;
	s7 =	sadd.s32 s19, s4;
	s0 =	ssub.s32 s0, s20  }
0xd: {  	s5 =	sadd.s32 s5, s3;
	s14 =	sshrl.u32 s22, $0x3;
	s19 =	simm.s32 $0x5FA0  }
0xe: {  	s20 =	simm.s32 $0xB;
	s22 =	simm.s32 $0x8;
	s23 =	sadd.s32 $0x20600, s7  }
0xf: {  	s6 =	sshrl.u32 s6, $0x3;
	s24 =	sadd.s32 $0x16600, s7;
	[dreg:$0x6] =	wrdreg s23  }
0x10: {  	s0 =	smax.u32 s0, $0x1;
	s26 =	sshrl.u32 s5, $0x3;
	[dreg:$0x7] =	wrdreg s24  }
0x11: {  	s5 =	simm.s32 $0xC;
	s1 =	sadd.s32 s1, s4;
	[dreg:$0x9] =	wrdreg s0  }
.Ltmp0:
0x12: {  	s4 =	sadd.s32 s6, s4;
	[dreg:$0xa] =	wrdreg s26;
	(pc) =	sbr.rel .LBB2_1-.Ltmp0, $4  }
0x13: {  	s23 =	simm.s32 $0x7EE0;
	s24 =	simm.s32 $0x1;
	s21 =	sadd.s32 $0xC600, s1  }
0x14: {  	s26 =	simm.s32 $0x2;
	s1 =	sadd.s32 $0x2000, s1;
	[dreg:$0x4] =	wrdreg s21  }
0x15: {  	s0 =	simm.s32 $0x5;
	s4 =	sadd.s32 $0x2A600, s4;
	[dreg:$0x5] =	wrdreg s1  }
0x16: {  	[dreg:$0x8] =	wrdreg s4;
	s21 =	simm.s32 $0x6F40;
	s1 =	simm.s32 $0xBD60  }
.LBB2_4:
0x17: {  	_ =	swait.ge [sflag:s22], $0xFA0  }
0x18: {  	[sflag:s22] =	ssyncset.done $0x0  }
0x19: {  	[sflag:s22] =	ssyncadd.s32 $0xFFFFF060  }
0x1a: {  	[spmem:s2] =	stream.indirect.scatter.add.f32 [tilespmem:s1], [sflag:$0x10], $0x20, s6, s16, $0xb8;
	[tilespmem:$0x16D00] =	vst v63  }
0x1b: {  	_ =	swait.ge [sflag:s5], $0xFA0  }
0x1c: {  	[sflag:s5] =	ssyncset.done $0x0  }
0x1d: {  	s4 =	simm.s32 $0xD;
	[sflag:s5] =	ssyncadd.s32 $0xFFFFF060  }
0x1e: {  	_ =	swait.ge [sflag:s4], $0xFA0  }
0x1f: {  	[sflag:s4] =	ssyncset.done $0x0  }
0x20: {  	s6 =	simm.s32 $0xE;
	[sflag:s4] =	ssyncadd.s32 $0xFFFFF060  }
0x21: {  	_ =	swait.ge [sflag:s6], $0xFA0  }
0x22: {  	[sflag:s6] =	ssyncset.done $0x0  }
0x23: {  	s7 =	simm.s32 $0xF;
	[sflag:s6] =	ssyncadd.s32 $0xFFFFF060  }
0x24: {  	_ =	swait.ge [sflag:s7], $0xFA0  }
0x25: {  	[sflag:s7] =	ssyncset.done $0x0  }
0x26: {  	s8 =	simm.s32 $0x10;
	[sflag:s7] =	ssyncadd.s32 $0xFFFFF060  }
0x27: {  	_ =	swait.ge [sflag:s8], $0xFA0  }
0x28: {  	[sflag:s8] =	ssyncset.done $0x0  }
0x29: {  	[sflag:s8] =	ssyncadd.s32 $0xFFFFF060  }
0x2a: {  	[bflag:$0x0] =	sbarrier.arrive $0xFFFF  }
0x2b: {  	s9 =	rddreg [dreg:$0x8]  }
0x2c: {  	[hbm:s9], [sflag:s13] =	dma.local [spmem:s14], $0xA00  }
0x2d: {  	_ =	swait.ge [sflag:s11], $0xA00  }
0x2e: {  	s10 =	sadd.s32 $0x1, s10;
	s15 =	rddreg [dreg:$0x9]  }
0x2f: {  	p0 =	sne.s32 s10, s15  }
.Ltmp1:
0x30: {  	_ = 	snop;
	(pc) =	sbr.rel @!p0 .LBB2_5-.Ltmp1, $3  }
0x31: {  	_ =	sdelay $0x1  }
0x32: {  	[sflag:s11] =	ssyncset.done $0x0  }
0x33: {  	[sflag:s11] =	ssyncadd.s32 $0xFFFFF600  }
.LBB2_1:
0x34: {  	s4 =	simm.s32 $0x0;
	s6 =	rddreg [dreg:$0x4]  }
0x35: {  	[tilespmem:s4], [sflag:$0x11] =	stream.linear.gather [hbm4b:s6+s4], $0x2800, $0x38;
	[tilespmem:$0x16D00] =	vst v63  }
0x36: {  	_ =	swait.ge [sflag:s11], $0x2800  }
0x37: {  	[sflag:s11] =	ssyncset.done $0x0  }
0x38: {  	s7 =	simm.s32 $0x2800;
	s15 =	rddreg [dreg:$0x5];
	[sflag:s11] =	ssyncadd.s32 $0xFFFFD800  }
0x39: {  	[tilespmem:s7], [sflag:$0x11] =	stream.linear.gather [hbm4b:s15+s4], $0x2800, $0x38;
	[tilespmem:$0x16D00] =	vst v63  }
0x3a: {  	_ =	swait.ge [sflag:s11], $0x2800  }
0x3b: {  	[sflag:s11] =	ssyncset.done $0x0  }
0x3c: {  	s8 =	rddreg [dreg:$0x6];
	[sflag:s11] =	ssyncadd.s32 $0xFFFFD800  }
0x3d: {  	[spmem:s14], [sflag:s13] =	dma.local [hbm:s8], $0xA00  }
0x3e: {  	_ =	swait.ge [sflag:s11], $0xA00  }
0x3f: {  	[sflag:s11] =	ssyncset.done $0x0;
	s9 =	rddreg [dreg:$0x7]  }
0x40: {  	s15 =	rddreg [dreg:$0xa];
	[sflag:s11] =	ssyncadd.s32 $0xFFFFF600  }
0x41: {  	[spmem:s15], [sflag:s13] =	dma.local [hbm:s9], $0xA00  }
0x42: {  	_ =	swait.ge [sflag:s11], $0xA00  }
0x43: {  	[sflag:s11] =	ssyncset.done $0x0  }
0x44: {  	[sflag:s11] =	ssyncadd.s32 $0xFFFFF600  }
0x45: {  	[bflag:$0x0] =	sbarrier.arrive $0xFFFF  }
0x46: {  	[tilespmem:s17], [sflag:$0x1] =	stream.indirect.gather [spmem:s3], $0x20, s4, s16, $0xb8;
	[tilespmem:$0x16D00] =	vst v63  }
0x47: {  	s8 =	simm.s32 $0x80  }
0x48: {  	[tilespmem:s19], [sflag:$0x2] =	stream.indirect.gather [spmem:s3], $0x20, s8, s16, $0xb8;
	[tilespmem:$0x16D00] =	vst v63  }
0x49: {  	s9 =	simm.s32 $0x100  }
0x4a: {  	[tilespmem:s21], [sflag:$0x3] =	stream.indirect.gather [spmem:s3], $0x20, s9, s16, $0xb8;
	[tilespmem:$0x16D00] =	vst v63  }
0x4b: {  	s15 =	simm.s32 $0x180  }
0x4c: {  	[tilespmem:s23], [sflag:$0x4] =	stream.indirect.gather [spmem:s3], $0x20, s15, s16, $0xb8;
	[tilespmem:$0x16D00] =	vst v63  }
0x4d: {  	s15 =	simm.s32 $0x0  }
.LBB2_2:
0x4e: {  	_ =	swait.ge [sflag:s24], $0xFA0  }
0x4f: {  	s4 =	sshra.s32 s15, $0x2;
	[sflag:s24] =	ssyncset.done $0x0  }
0x50: {  	p0 =	seq.s32 s15, $0x0;
	s6 =	sadd.s32 $0x2800, s4;
	[sflag:s24] =	ssyncadd.s32 $0xFFFFF060  }
0x51: {  	[spmem:s2] =	stream.indirect.scatter.add.f32 [tilespmem:s17], [sflag:$0x9], $0x20, s6, s16, $0xb8;
	[tilespmem:$0x16D00] =	vst v63  }
0x52: {  	s6 =	simm.s32 @!p0 $0xD  }
0x53: {  	_ =	swait.ge @!p0 [sflag:s6], $0xFA0  }
0x54: {  	[sflag:s6] =	ssyncset.done @!p0 $0x0  }
0x55: {  	s7 =	sadd.s32 $0x200, s4;
	[sflag:s6] =	ssyncadd.s32 @!p0 $0xFFFFF060  }
0x56: {  	[tilespmem:s25], [sflag:$0x5] =	stream.indirect.gather [spmem:s3], $0x20, s7, s16, $0xb8;
	[tilespmem:$0x16D00] =	vst v63  }
0x57: {  	_ =	swait.ge [sflag:s26], $0xFA0  }
0x58: {  	[sflag:s26] =	ssyncset.done $0x0  }
0x59: {  	s8 =	sadd.s32 $0x2880, s4;
	s6 =	simm.s32 @!p0 $0xE;
	[sflag:s26] =	ssyncadd.s32 $0xFFFFF060  }
0x5a: {  	[spmem:s2] =	stream.indirect.scatter.add.f32 [tilespmem:s19], [sflag:$0xA], $0x20, s8, s16, $0xb8;
	[tilespmem:$0x16D00] =	vst v63  }
0x5b: {  	_ =	swait.ge @!p0 [sflag:s6], $0xFA0  }
0x5c: {  	[sflag:s6] =	ssyncset.done @!p0 $0x0  }
0x5d: {  	s9 =	sadd.s32 $0x280, s4;
	[sflag:s6] =	ssyncadd.s32 @!p0 $0xFFFFF060  }
0x5e: {  	[tilespmem:s28], [sflag:$0x6] =	stream.indirect.gather [spmem:s3], $0x20, s9, s16, $0xb8;
	[tilespmem:$0x16D00] =	vst v63  }
0x5f: {  	_ =	swait.ge [sflag:s29], $0xFA0  }
0x60: {  	[sflag:s29] =	ssyncset.done $0x0  }
0x61: {  	s7 =	sadd.s32 $0x2900, s4;
	s6 =	simm.s32 @!p0 $0xF;
	[sflag:s29] =	ssyncadd.s32 $0xFFFFF060  }
0x62: {  	[spmem:s2] =	stream.indirect.scatter.add.f32 [tilespmem:s21], [sflag:$0xB], $0x20, s7, s16, $0xb8;
	[tilespmem:$0x16D00] =	vst v63  }
0x63: {  	_ =	swait.ge @!p0 [sflag:s6], $0xFA0  }
0x64: {  	[sflag:s6] =	ssyncset.done @!p0 $0x0  }
0x65: {  	s8 =	sadd.s32 $0x300, s4;
	[sflag:s6] =	ssyncadd.s32 @!p0 $0xFFFFF060  }
0x66: {  	[tilespmem:s30], [sflag:$0x7] =	stream.indirect.gather [spmem:s3], $0x20, s8, s16, $0xb8;
	[tilespmem:$0x16D00] =	vst v63  }
0x67: {  	_ =	swait.ge [sflag:s31], $0xFA0  }
0x68: {  	[sflag:s31] =	ssyncset.done $0x0  }
0x69: {  	s9 =	sadd.s32 $0x2980, s4;
	s6 =	simm.s32 @!p0 $0x10;
	[sflag:s31] =	ssyncadd.s32 $0xFFFFF060  }
0x6a: {  	[spmem:s2] =	stream.indirect.scatter.add.f32 [tilespmem:s23], [sflag:$0xC], $0x20, s9, s16, $0xb8;
	[tilespmem:$0x16D00] =	vst v63  }
0x6b: {  	_ =	swait.ge @!p0 [sflag:s6], $0xFA0  }
0x6c: {  	[sflag:s6] =	ssyncset.done @!p0 $0x0  }
0x6d: {  	s7 =	sadd.s32 $0x380, s4;
	[sflag:s6] =	ssyncadd.s32 @!p0 $0xFFFFF060  }
0x6e: {  	[tilespmem:s1], [sflag:$0x8] =	stream.indirect.gather [spmem:s3], $0x20, s7, s16, $0xb8;
	[tilespmem:$0x16D00] =	vst v63  }
0x6f: {  	_ =	swait.ge [sflag:s0], $0xFA0  }
0x70: {  	[sflag:s0] =	ssyncset.done $0x0  }
0x71: {  	s8 =	sadd.s32 $0x2A00, s4;
	[sflag:s0] =	ssyncadd.s32 $0xFFFFF060  }
0x72: {  	[spmem:s2] =	stream.indirect.scatter.add.f32 [tilespmem:s25], [sflag:$0xD], $0x20, s8, s16, $0xb8;
	[tilespmem:$0x16D00] =	vst v63  }
0x73: {  	_ =	swait.ge [sflag:s12], $0xFA0  }
0x74: {  	p0 =	seq.s32 s15, $0x9000;
	[sflag:s12] =	ssyncset.done $0x0  }
0x75: {  	s6 =	simm.s32 @p0 $0x6;
	[sflag:s12] =	ssyncadd.s32 $0xFFFFF060  }
0x76: {  	_ =	swait.ge @p0 [sflag:s6], $0xFA0  }
0x77: {  	[sflag:s6] =	ssyncset.done @p0 $0x0  }
0x78: {  	[sflag:s6] =	ssyncadd.s32 @p0 $0xFFFFF060;
	s6 =	sshra.s32 @p0 s15, $0x2  }
0x79: {  	s7 =	simm.s32 @p0 $0x7D;
	s8 =	simm.s32 @p0 $0x9E20;
	s6 =	sadd.s32 @p0 $0x2A80, s6  }
0x7a: {  	[spmem:s2] =	stream.indirect.scatter.add.f32 @p0 [tilespmem:s8], [sflag:$0xE], $0x20, s6, s7, $0xb8;
	[tilespmem:$0x16D00] =	vst v63  }
0x7b: {  	s6 =	simm.s32 @p0 $0xA  }
0x7c: {  	_ =	swait.ge @p0 [sflag:s6], $0xFA0  }
0x7d: {  	[sflag:s6] =	ssyncset.done @p0 $0x0  }
0x7e: {  	[sflag:s6] =	ssyncadd.s32 @p0 $0xFFFFF060;
	s6 =	sshra.s32 @!p0 s15, $0x2  }
0x7f: {  	s9 =	simm.s32 @!p0 $0x5000;
	s8 =	simm.s32 @!p0 $0x7D;
	s7 =	sadd.s32 @!p0 $0x400, s6  }
0x80: {  	[tilespmem:s9], [sflag:$0x1] =	stream.indirect.gather @!p0 [spmem:s3], $0x20, s7, s8, $0xb8;
	[tilespmem:$0x16D00] =	vst v63  }
0x81: {  	s7 =	simm.s32 @!p0 $0x6  }
0x82: {  	_ =	swait.ge @!p0 [sflag:s7], $0xFA0  }
0x83: {  	[sflag:s7] =	ssyncset.done @!p0 $0x0  }
0x84: {  	s9 =	simm.s32 @!p0 $0x9E20;
	[sflag:s7] =	ssyncadd.s32 @!p0 $0xFFFFF060;
	s7 =	sadd.s32 @!p0 $0x2A80, s6  }
0x85: {  	[spmem:s2] =	stream.indirect.scatter.add.f32 @!p0 [tilespmem:s9], [sflag:$0xE], $0x20, s7, s8, $0xb8;
	[tilespmem:$0x16D00] =	vst v63  }
0x86: {  	s7 =	simm.s32 @!p0 $0xA  }
0x87: {  	_ =	swait.ge @!p0 [sflag:s7], $0xFA0  }
0x88: {  	[sflag:s7] =	ssyncset.done @!p0 $0x0  }
0x89: {  	s6 =	sadd.s32 @!p0 $0x480, s6;
	[sflag:s7] =	ssyncadd.s32 @!p0 $0xFFFFF060;
	s7 =	simm.s32 @!p0 $0x5FA0  }
0x8a: {  	[tilespmem:s7], [sflag:$0x2] =	stream.indirect.gather @!p0 [spmem:s3], $0x20, s6, s8, $0xb8;
	[tilespmem:$0x16D00] =	vst v63  }
0x8b: {  	_ =	swait.ge [sflag:s18], $0xFA0  }
0x8c: {  	[sflag:s18] =	ssyncset.done $0x0  }
.Ltmp2:
0x8d: {  	s9 =	sadd.s32 $0x2B00, s4;
	[sflag:s18] =	ssyncadd.s32 $0xFFFFF060;
	(pc) =	sbr.rel @p0 .LBB2_4-.Ltmp2, $4  }
0x8e: {  	[spmem:s2] =	stream.indirect.scatter.add.f32 [tilespmem:s30], [sflag:$0xF], $0x20, s9, s16, $0xb8;
	[tilespmem:$0x16D00] =	vst v63  }
0x8f: {  	_ =	swait.ge [sflag:s20], $0xFA0  }
0x90: {  	[sflag:s20] =	ssyncset.done $0x0  }
0x91: {  	s6 =	sadd.s32 $0x2B80, s4;
	[sflag:s20] =	ssyncadd.s32 $0xFFFFF060  }
0x92: {  	s7 =	sadd.s32 $0x500, s4  }
0x93: {  	[tilespmem:s21], [sflag:$0x3] =	stream.indirect.gather [spmem:s3], $0x20, s7, s16, $0xb8;
	[tilespmem:$0x16D00] =	vst v63  }
0x94: {  	_ =	swait.ge [sflag:s22], $0xFA0  }
0x95: {  	[sflag:s22] =	ssyncset.done $0x0  }
0x96: {  	[sflag:s22] =	ssyncadd.s32 $0xFFFFF060  }
0x97: {  	[spmem:s2] =	stream.indirect.scatter.add.f32 [tilespmem:s1], [sflag:$0x10], $0x20, s6, s16, $0xb8;
	[tilespmem:$0x16D00] =	vst v63  }
.Ltmp3:
0x98: {  	_ = 	snop;
	(pc) =	sbr.rel .LBB2_2-.Ltmp3, $4  }
0x99: {  	_ =	swait.ge [sflag:s5], $0xFA0  }
0x9a: {  	[sflag:s5] =	ssyncset.done $0x0  }
0x9b: {  	s9 =	sadd.s32 $0x580, s4;
	s15 =	sadd.s32 $0x1000, s15;
	[sflag:s5] =	ssyncadd.s32 $0xFFFFF060  }
0x9c: {  	[tilespmem:s23], [sflag:$0x4] =	stream.indirect.gather [spmem:s3], $0x20, s9, s16, $0xb8;
	[tilespmem:$0x16D00] =	vst v63  }
.LBB2_5:
0x9d: {  	_ =	sfence.sel $0x180000  }
0x9e: {  	[bflag:$0x0] =	sbarrier.arrive $0xFFFF  }
0x9f: {  	_ =	strace $0x9000004A  }
0xa0: {  	s0 =	stileid.u32;
	[bflag:$0x2] =	sbarrier.arrive $0xFFFF  }
0xa1: {  	p0 =	sne.s32 s0, $0x0;
	s0 =	rddreg [dreg:$0x3]  }
0xa2: {  	s0 =	sadd.s32 @!p0 $0x100000, s0  }
0xa3: {  	[sflag:s0] =	ssyncadd.tile.s32 @!p0 $0x1;
	_ =	shalt  }
.Lfunc_end2:
_tile_overlayer_lowered:
.L_overlay_start_2:
0xa4: {  	(tag) =	ssettag $0x2  }
0xa5: {  	s0 =	rddreg [dreg:$0x0];
	s2 =	stileid.u32  }
0xa6: {  	s1 =	rddreg [dreg:$0x1];
	p0 =	sne.s32 s2, $0x0  }
0xa7: {  	s3 =	rddreg [dreg:$0x2];
	[bflag:$0x3] =	sbarrier.arrive $0xFFFF;
	s2 =	simm.s32 @!p0 $0x1C11  }
0xa8: {  	[timem:s3], [sflag:s2] =	dma.local @!p0 [hbm:s0], s1  }
0xa9: {  	s0 =	simm.s32 @!p0 $0x11  }
0xaa: {  	_ =	swait.ge @!p0 [sflag:s0], s1  }
0xab: {  	s1 =	ssub.s32 @!p0 $0x0, s1;
	[sflag:s0] =	ssyncset.done @!p0 $0x0  }
0xac: {  	[sflag:s0] =	ssyncadd.s32 @!p0 s1  }
0xad: {  	[bflag:$0x3] =	sbarrier.arrive $0xFFFF  }
0xae: {  	_ =	shalt  }

</sc_bundles>
